<compile_context>
chip_gen: v7x
topology: tpu7x:2x2x1
jax: 0.10.2.dev20260603
libtpu: 0.0.44.dev20260713+nightly
codegen_flags: <defaults>
</compile_context>

<pallas_src>
import functools

import jax
import jax.numpy as jnp
from jax import lax
from jax.experimental import pallas as pl
from jax.experimental.pallas import tpu as pltpu
from jax.experimental.pallas import tpu_sc as plsc

N = 10000
E = 320000
DF = 128
DC = 64

NC = 2
NS = 16
NW = NC * NS
EPT = E // NW
CH = 80
NCH = EPT // CH
U = 4
NWIN = NCH // U
TAIL = NCH - NWIN * U
RSTRIDE = 624
JR = 40
NJ = 16

_MESH = dict(core_axis_name="c", subcore_axis_name="s")


def _make_agg(D):
    scratch = (
        [pltpu.VMEM((CH,), jnp.int32) for _ in range(U)]
        + [pltpu.VMEM((CH,), jnp.int32) for _ in range(U)]
        + [pltpu.VMEM((CH, D), jnp.float32) for _ in range(U)]
        + [pltpu.VMEM_SHARED((N, D), jnp.float32)]
        + [pltpu.SemaphoreType.DMA for _ in range(4 * U)]
    )

    @functools.partial(
        pl.kernel,
        mesh=plsc.VectorSubcoreMesh(**_MESH),
        out_type=jax.ShapeDtypeStruct((NC * N, D), jnp.float32),
        scratch_types=scratch,
    )
    def agg(z_hbm, src_hbm, dst_hbm, out_hbm, *sc):
        src_v = sc[0:U]
        dst_v = sc[U:2 * U]
        rows_v = sc[2 * U:3 * U]
        acc = sc[3 * U]
        sems = sc[3 * U + 1:]
        qsem = sems[0:U]
        dsem = sems[U:2 * U]
        gsem = sems[2 * U:3 * U]
        ssem = sems[3 * U:4 * U]
        c = lax.axis_index("c")
        s = lax.axis_index("s")
        wid = s * NC + c
        row0 = s * RSTRIDE
        pltpu.sync_copy(z_hbm.at[pl.ds(row0, NJ * JR)],
                        acc.at[pl.ds(row0, NJ * JR)])
        base = wid * EPT
        for b in range(U):
            off = base + b * CH
            pltpu.async_copy(src_hbm.at[pl.ds(off, CH)], src_v[b], qsem[b])
            pltpu.async_copy(dst_hbm.at[pl.ds(off, CH)], dst_v[b], dsem[b])
        plsc.subcore_barrier()

        def window(w, carry):
            woff = base + w * U * CH
            hg = []
            for b in range(U):
                @pl.when(w > 0)
                def _drain(b=b):
                    pltpu.make_async_copy(rows_v[b], acc.at[dst_v[b]],
                                          ssem[b]).wait()
                    off = woff + b * CH
                    pltpu.async_copy(dst_hbm.at[pl.ds(off, CH)], dst_v[b],
                                     dsem[b])
                pltpu.make_async_copy(src_hbm.at[pl.ds(base, CH)],
                                      src_v[b], qsem[b]).wait()
                hg.append(pltpu.async_copy(z_hbm.at[src_v[b]], rows_v[b],
                                           gsem[b]))
            for b in range(U):
                hg[b].wait()
                pltpu.make_async_copy(dst_hbm.at[pl.ds(base, CH)],
                                      dst_v[b], dsem[b]).wait()
                pltpu.async_copy(rows_v[b], acc.at[dst_v[b]], ssem[b],
                                 add=True)

                @pl.when(w < NWIN - 1)
                def _next_src(b=b):
                    off = woff + U * CH + b * CH
                    pltpu.async_copy(src_hbm.at[pl.ds(off, CH)], src_v[b],
                                     qsem[b])
            return carry

        lax.fori_loop(0, NWIN, window, 0)
        for b in range(U):
            pltpu.make_async_copy(rows_v[b], acc.at[dst_v[b]],
                                  ssem[b]).wait()
        for t in range(TAIL):
            off = base + (NWIN * U + t) * CH
            pltpu.sync_copy(src_hbm.at[pl.ds(off, CH)], src_v[0])
            pltpu.sync_copy(dst_hbm.at[pl.ds(off, CH)], dst_v[0])
            pltpu.async_copy(z_hbm.at[src_v[0]], rows_v[0], gsem[0]).wait()
            pltpu.sync_copy(rows_v[0], acc.at[dst_v[0]], add=True)
        plsc.subcore_barrier()
        pltpu.sync_copy(acc.at[pl.ds(row0, NJ * JR)],
                        out_hbm.at[pl.ds(c * N + row0, NJ * JR)])

    return agg


_agg128 = _make_agg(DF)


EB = 16000
NHI = 80
NLO = 128


def _hist_body(ei_ref, o_ref):
    i = pl.program_id(0)

    @pl.when(i == 0)
    def _init():
        o_ref[...] = jnp.zeros_like(o_ref)

    drow = ei_ref[1:2, :]
    hi_t = (lax.broadcasted_iota(jnp.int32, (NHI, EB), 0)
            == (drow >> 7)).astype(jnp.float32)
    lo_t = (lax.broadcasted_iota(jnp.int32, (NLO, EB), 0)
            == (drow & 127)).astype(jnp.float32)
    o_ref[...] += lax.dot_general(hi_t, lo_t, (((1,), (1,)), ((), ())),
                                  preferred_element_type=jnp.float32)


def _hist(ei):
    return pl.pallas_call(
        _hist_body,
        grid=(E // EB,),
        in_specs=[pl.BlockSpec((2, EB), lambda i: (0, i))],
        out_specs=pl.BlockSpec((NHI, NLO), lambda i: (0, 0)),
        out_shape=jax.ShapeDtypeStruct((NHI, NLO), jnp.float32),
    )(ei)


BR = 1000


def _dinv_of(deg_ref):
    return lax.rsqrt(deg_ref[...] + 1.0)


def _mm_scale_body(x_ref, w_ref, deg_ref, o_ref):
    dinv = _dinv_of(deg_ref)
    xw = jnp.dot(x_ref[...], w_ref[...], preferred_element_type=jnp.float32)
    o_ref[...] = xw * dinv


def _mm_scale(x, W1, degc):
    return pl.pallas_call(
        _mm_scale_body,
        grid=(N // BR,),
        in_specs=[
            pl.BlockSpec((BR, DF), lambda i: (i, 0)),
            pl.BlockSpec((DF, DF), lambda i: (0, 0)),
            pl.BlockSpec((BR, 1), lambda i: (i, 0)),
        ],
        out_specs=pl.BlockSpec((BR, DF), lambda i: (i, 0)),
        out_shape=jax.ShapeDtypeStruct((N, DF), jnp.float32),
    )(x, W1, degc)


def _layer2_body(p_ref, z_ref, deg_ref, b1_ref, o_ref):
    dinv = _dinv_of(deg_ref)
    agg = (p_ref[0] + p_ref[1] - z_ref[...]) * dinv + b1_ref[...]
    o_ref[...] = jnp.maximum(agg, 0.0) * dinv


def _layer2(p1, z, degc, b1r):
    return pl.pallas_call(
        _layer2_body,
        grid=(N // BR,),
        in_specs=[
            pl.BlockSpec((NC, BR, DF), lambda i: (0, i, 0)),
            pl.BlockSpec((BR, DF), lambda i: (i, 0)),
            pl.BlockSpec((BR, 1), lambda i: (i, 0)),
            pl.BlockSpec((1, DF), lambda i: (0, 0)),
        ],
        out_specs=pl.BlockSpec((BR, DF), lambda i: (i, 0)),
        out_shape=jax.ShapeDtypeStruct((N, DF), jnp.float32),
    )(p1, z, degc, b1r)


def _final_body(p_ref, z2_ref, deg_ref, w2_ref, b2_ref, o_ref):
    dinv = _dinv_of(deg_ref)
    agg = (p_ref[0] + p_ref[1] - z2_ref[...]) * dinv
    v = jnp.dot(agg, w2_ref[...], preferred_element_type=jnp.float32)
    v = v + b2_ref[...]
    col = lax.broadcasted_iota(jnp.int32, (BR, DC), 1)
    valid = col < 40
    vm = jnp.where(valid, v, jnp.float32(-1e30))
    m = jnp.max(vm, axis=1, keepdims=True)
    ex = jnp.where(valid, jnp.exp(v - m), 0.0)
    lse = jnp.log(jnp.sum(ex, axis=1, keepdims=True))
    o_ref[...] = v - m - lse


def _final(p2, z2, degc, W2p, b2r):
    return pl.pallas_call(
        _final_body,
        grid=(N // BR,),
        in_specs=[
            pl.BlockSpec((NC, BR, DF), lambda i: (0, i, 0)),
            pl.BlockSpec((BR, DF), lambda i: (i, 0)),
            pl.BlockSpec((BR, 1), lambda i: (i, 0)),
            pl.BlockSpec((DF, DC), lambda i: (0, 0)),
            pl.BlockSpec((1, DC), lambda i: (0, 0)),
        ],
        out_specs=pl.BlockSpec((BR, DC), lambda i: (i, 0)),
        out_shape=jax.ShapeDtypeStruct((N, DC), jnp.float32),
    )(p2, z2, degc, W2p, b2r)


def kernel(x, edge_index, W1, b1, W2, b2):
    ei = edge_index.astype(jnp.int32)
    src = ei[0]
    dst = ei[1]
    deg2d = _hist(ei)
    degc = deg2d.reshape(NHI * NLO)[:N].reshape(N, 1)
    z = _mm_scale(x, W1, degc)
    p1 = _agg128(z, src, dst).reshape(NC, N, DF)
    z2 = _layer2(p1, z, degc, b1.reshape(1, DF))
    p2 = _agg128(z2, src, dst).reshape(NC, N, DF)
    W2p = jnp.pad(W2, ((0, 0), (0, DC - W2.shape[1])))
    b2r = jnp.pad(b2, (0, DC - b2.shape[0])).reshape(1, DC)
    out64 = _final(p2, z2, degc, W2p, b2r)
    return out64[:, :40]

# --- scband reference (transcript-rebuilt; emitter-appended) ---
"""Pipeline reference for scband-kipf-gcn-1743756722177 (READ-ONLY COPY).

The authoritative reference and input builder live on the scoring server;
editing this copy changes nothing except your own understanding.
"""

import jax, jax.numpy as jnp
import numpy as np

N_NODES = 10000
N_EDGES = 320000
D_FEAT = 128
GCN_DIM = 128
NUM_CLASS = 40


def gcn_conv(x, src, dst, W, b):
    # GCNConv: add self-loops, symmetric normalization, scatter-add aggregation
    n = x.shape[0]
    xw = x @ W
    deg = jnp.zeros((n,), dtype=xw.dtype).at[dst].add(1.0)
    dinv = jax.lax.rsqrt(jnp.maximum(deg, 1e-12))
    norm = dinv[src] * dinv[dst]
    msgs = jnp.take(xw, src, axis=0) * norm[:, None]
    out = jnp.zeros((n, xw.shape[1]), dtype=xw.dtype).at[dst].add(msgs)
    return out + b


def setup_inputs(seed: int = 0) -> dict:
    key = jax.random.key(seed)
    k1, k2, k3, k4, k5, k6 = jax.random.split(key, 6)
    x = jax.random.normal(k1, (N_NODES, D_FEAT), dtype=jnp.float32)
    edge_index = jax.random.randint(k2, (2, N_EDGES), 0, N_NODES, dtype=jnp.int64)
    s1 = 1.0 / np.sqrt(D_FEAT)
    W1 = jax.random.uniform(k3, (D_FEAT, GCN_DIM), dtype=jnp.float32, minval=-s1, maxval=s1)
    b1 = jnp.zeros((GCN_DIM,), dtype=jnp.float32)
    s2 = 1.0 / np.sqrt(GCN_DIM)
    W2 = jax.random.uniform(k4, (GCN_DIM, NUM_CLASS), dtype=jnp.float32, minval=-s2, maxval=s2)
    b2 = jnp.zeros((NUM_CLASS,), dtype=jnp.float32)
    return {"x": x, "edge_index": edge_index, "W1": W1, "b1": b1, "W2": W2, "b2": b2}


def reference(x, edge_index, W1, b1, W2, b2):
    n = x.shape[0]
    loop = jnp.arange(n, dtype=edge_index.dtype)
    src = jnp.concatenate([edge_index[0], loop])
    dst = jnp.concatenate([edge_index[1], loop])
    h = gcn_conv(x, src, dst, W1, b1)
    h = jax.nn.relu(h)
    # dropout is identity in eval mode (training=False)
    h = gcn_conv(h, src, dst, W2, b2)
    return jax.nn.log_softmax(h, axis=1)

if __name__ == "__main__":
    import jax
    _d = setup_inputs()
    print(jax.jit(kernel)(*tuple(_d.values())))

</pallas_src>

<mosaic_0001>
#map = affine_map<(d0, d1) -> (0, 0)>
#map1 = affine_map<(d0, d1) -> (0)>
module attributes {stable_mosaic.version = 14 : i64} {
  func.func @agg(%arg0: i32, %arg1: i32, %arg2: memref<10000x128xf32, #tpu.memory_space<hbm>>, %arg3: memref<320000xi32, #tpu.memory_space<hbm>>, %arg4: memref<320000xi32, #tpu.memory_space<hbm>>, %arg5: memref<20000x128xf32, #tpu.memory_space<hbm>>, %arg6: memref<80xi32, #tpu.memory_space<vmem>>, %arg7: memref<80xi32, #tpu.memory_space<vmem>>, %arg8: memref<80xi32, #tpu.memory_space<vmem>>, %arg9: memref<80xi32, #tpu.memory_space<vmem>>, %arg10: memref<80xi32, #tpu.memory_space<vmem>>, %arg11: memref<80xi32, #tpu.memory_space<vmem>>, %arg12: memref<80xi32, #tpu.memory_space<vmem>>, %arg13: memref<80xi32, #tpu.memory_space<vmem>>, %arg14: memref<80x128xf32, #tpu.memory_space<vmem>>, %arg15: memref<80x128xf32, #tpu.memory_space<vmem>>, %arg16: memref<80x128xf32, #tpu.memory_space<vmem>>, %arg17: memref<80x128xf32, #tpu.memory_space<vmem>>, %arg18: memref<10000x128xf32, #tpu.memory_space<vmem_shared>>, %arg19: memref<!tpu.dma_semaphore, #tpu.memory_space<semaphore_mem>>, %arg20: memref<!tpu.dma_semaphore, #tpu.memory_space<semaphore_mem>>, %arg21: memref<!tpu.dma_semaphore, #tpu.memory_space<semaphore_mem>>, %arg22: memref<!tpu.dma_semaphore, #tpu.memory_space<semaphore_mem>>, %arg23: memref<!tpu.dma_semaphore, #tpu.memory_space<semaphore_mem>>, %arg24: memref<!tpu.dma_semaphore, #tpu.memory_space<semaphore_mem>>, %arg25: memref<!tpu.dma_semaphore, #tpu.memory_space<semaphore_mem>>, %arg26: memref<!tpu.dma_semaphore, #tpu.memory_space<semaphore_mem>>, %arg27: memref<!tpu.dma_semaphore, #tpu.memory_space<semaphore_mem>>, %arg28: memref<!tpu.dma_semaphore, #tpu.memory_space<semaphore_mem>>, %arg29: memref<!tpu.dma_semaphore, #tpu.memory_space<semaphore_mem>>, %arg30: memref<!tpu.dma_semaphore, #tpu.memory_space<semaphore_mem>>, %arg31: memref<!tpu.dma_semaphore, #tpu.memory_space<semaphore_mem>>, %arg32: memref<!tpu.dma_semaphore, #tpu.memory_space<semaphore_mem>>, %arg33: memref<!tpu.dma_semaphore, #tpu.memory_space<semaphore_mem>>, %arg34: memref<!tpu.dma_semaphore, #tpu.memory_space<semaphore_mem>>) attributes {dimension_semantics = [#tpu.dimension_semantics<core_parallel>, #tpu.dimension_semantics<subcore_parallel>], iteration_bounds = array<i64: 2, 16>, scalar_prefetch = 0 : i64, scratch_operands = 29 : i64, tpu.core_type = #tpu.core_type<sc_vector_subcore>, window_params = [{transform_indices = #map}, {transform_indices = #map1}, {transform_indices = #map1}, {transform_indices = #map}]} {
    %mul3A = arith.constant 2 : i32
    %mul3A_0 = arith.muli %arg1, %mul3A : i32
    %add3A = arith.addi %mul3A_0, %arg0 : i32
    %mul3A_1 = arith.constant 624 : i32
    %mul3A_2 = arith.muli %arg1, %mul3A_1 : i32
    "tpu.region"() ({
      %run_scoped3A = tpu.sem_alloc : memref<!tpu.dma_semaphore, #tpu.memory_space<semaphore_mem>>
      %dma_start3A_56 = arith.constant 0 : i32
      %dma_start3A_57 = tpu.memref_slice %arg18[%mul3A_2, %dma_start3A_56] : memref<10000x128xf32, #tpu.memory_space<vmem_shared>> -> memref<640x128xf32, #tpu.memory_space<vmem_shared>>
      %dma_start3A_58 = arith.constant 0 : i32
      %dma_start3A_59 = tpu.memref_slice %arg2[%mul3A_2, %dma_start3A_58] : memref<10000x128xf32, #tpu.memory_space<hbm>> -> memref<640x128xf32, #tpu.memory_space<hbm>>
      tpu.enqueue_dma source(%dma_start3A_59 : memref<640x128xf32, #tpu.memory_space<hbm>>) target(%dma_start3A_57 : memref<640x128xf32, #tpu.memory_space<vmem_shared>>) target_semaphore(%run_scoped3A : memref<!tpu.dma_semaphore, #tpu.memory_space<semaphore_mem>>)
      %dma_wait3A_60 = arith.constant 0 : i32
      %dma_wait3A_61 = tpu.memref_slice %arg18[%mul3A_2, %dma_wait3A_60] : memref<10000x128xf32, #tpu.memory_space<vmem_shared>> -> memref<640x128xf32, #tpu.memory_space<vmem_shared>>
      %dma_wait3A_62 = arith.constant 0 : i32
      %dma_wait3A_63 = tpu.memref_slice %arg2[%mul3A_2, %dma_wait3A_62] : memref<10000x128xf32, #tpu.memory_space<hbm>> -> memref<640x128xf32, #tpu.memory_space<hbm>>
      tpu.wait_dma2 semaphore(%run_scoped3A : memref<!tpu.dma_semaphore, #tpu.memory_space<semaphore_mem>>) src(%dma_wait3A_63 : memref<640x128xf32, #tpu.memory_space<hbm>>) dst(%dma_wait3A_61 : memref<640x128xf32, #tpu.memory_space<vmem_shared>>)
      tpu.yield
    }) : () -> ()
    %mul3A_3 = arith.constant 10000 : i32
    %mul3A_4 = arith.muli %add3A, %mul3A_3 : i32
    %add3A_5 = arith.constant 0 : i32
    %add3A_6 = arith.addi %mul3A_4, %add3A_5 : i32
    %dma_start3A = tpu.memref_slice %arg3[%add3A_6] : memref<320000xi32, #tpu.memory_space<hbm>> -> memref<80xi32, #tpu.memory_space<hbm>>
    %dma_start3A_7 = tpu.memref_slice %arg3[%add3A_6] : memref<320000xi32, #tpu.memory_space<hbm>> -> memref<80xi32, #tpu.memory_space<hbm>>
    tpu.enqueue_dma source(%dma_start3A_7 : memref<80xi32, #tpu.memory_space<hbm>>) target(%arg6 : memref<80xi32, #tpu.memory_space<vmem>>) target_semaphore(%arg19 : memref<!tpu.dma_semaphore, #tpu.memory_space<semaphore_mem>>)
    %dma_start3A_8 = tpu.memref_slice %arg4[%add3A_6] : memref<320000xi32, #tpu.memory_space<hbm>> -> memref<80xi32, #tpu.memory_space<hbm>>
    %dma_start3A_9 = tpu.memref_slice %arg4[%add3A_6] : memref<320000xi32, #tpu.memory_space<hbm>> -> memref<80xi32, #tpu.memory_space<hbm>>
    tpu.enqueue_dma source(%dma_start3A_9 : memref<80xi32, #tpu.memory_space<hbm>>) target(%arg10 : memref<80xi32, #tpu.memory_space<vmem>>) target_semaphore(%arg23 : memref<!tpu.dma_semaphore, #tpu.memory_space<semaphore_mem>>)
    %add3A_10 = arith.constant 80 : i32
    %add3A_11 = arith.addi %mul3A_4, %add3A_10 : i32
    %dma_start3A_12 = tpu.memref_slice %arg3[%add3A_11] : memref<320000xi32, #tpu.memory_space<hbm>> -> memref<80xi32, #tpu.memory_space<hbm>>
    %dma_start3A_13 = tpu.memref_slice %arg3[%add3A_11] : memref<320000xi32, #tpu.memory_space<hbm>> -> memref<80xi32, #tpu.memory_space<hbm>>
    tpu.enqueue_dma source(%dma_start3A_13 : memref<80xi32, #tpu.memory_space<hbm>>) target(%arg7 : memref<80xi32, #tpu.memory_space<vmem>>) target_semaphore(%arg20 : memref<!tpu.dma_semaphore, #tpu.memory_space<semaphore_mem>>)
    %dma_start3A_14 = tpu.memref_slice %arg4[%add3A_11] : memref<320000xi32, #tpu.memory_space<hbm>> -> memref<80xi32, #tpu.memory_space<hbm>>
    %dma_start3A_15 = tpu.memref_slice %arg4[%add3A_11] : memref<320000xi32, #tpu.memory_space<hbm>> -> memref<80xi32, #tpu.memory_space<hbm>>
    tpu.enqueue_dma source(%dma_start3A_15 : memref<80xi32, #tpu.memory_space<hbm>>) target(%arg11 : memref<80xi32, #tpu.memory_space<vmem>>) target_semaphore(%arg24 : memref<!tpu.dma_semaphore, #tpu.memory_space<semaphore_mem>>)
    %add3A_16 = arith.constant 160 : i32
    %add3A_17 = arith.addi %mul3A_4, %add3A_16 : i32
    %dma_start3A_18 = tpu.memref_slice %arg3[%add3A_17] : memref<320000xi32, #tpu.memory_space<hbm>> -> memref<80xi32, #tpu.memory_space<hbm>>
    %dma_start3A_19 = tpu.memref_slice %arg3[%add3A_17] : memref<320000xi32, #tpu.memory_space<hbm>> -> memref<80xi32, #tpu.memory_space<hbm>>
    tpu.enqueue_dma source(%dma_start3A_19 : memref<80xi32, #tpu.memory_space<hbm>>) target(%arg8 : memref<80xi32, #tpu.memory_space<vmem>>) target_semaphore(%arg21 : memref<!tpu.dma_semaphore, #tpu.memory_space<semaphore_mem>>)
    %dma_start3A_20 = tpu.memref_slice %arg4[%add3A_17] : memref<320000xi32, #tpu.memory_space<hbm>> -> memref<80xi32, #tpu.memory_space<hbm>>
    %dma_start3A_21 = tpu.memref_slice %arg4[%add3A_17] : memref<320000xi32, #tpu.memory_space<hbm>> -> memref<80xi32, #tpu.memory_space<hbm>>
    tpu.enqueue_dma source(%dma_start3A_21 : memref<80xi32, #tpu.memory_space<hbm>>) target(%arg12 : memref<80xi32, #tpu.memory_space<vmem>>) target_semaphore(%arg25 : memref<!tpu.dma_semaphore, #tpu.memory_space<semaphore_mem>>)
    %add3A_22 = arith.constant 240 : i32
    %add3A_23 = arith.addi %mul3A_4, %add3A_22 : i32
    %dma_start3A_24 = tpu.memref_slice %arg3[%add3A_23] : memref<320000xi32, #tpu.memory_space<hbm>> -> memref<80xi32, #tpu.memory_space<hbm>>
    %dma_start3A_25 = tpu.memref_slice %arg3[%add3A_23] : memref<320000xi32, #tpu.memory_space<hbm>> -> memref<80xi32, #tpu.memory_space<hbm>>
    tpu.enqueue_dma source(%dma_start3A_25 : memref<80xi32, #tpu.memory_space<hbm>>) target(%arg9 : memref<80xi32, #tpu.memory_space<vmem>>) target_semaphore(%arg22 : memref<!tpu.dma_semaphore, #tpu.memory_space<semaphore_mem>>)
    %dma_start3A_26 = tpu.memref_slice %arg4[%add3A_23] : memref<320000xi32, #tpu.memory_space<hbm>> -> memref<80xi32, #tpu.memory_space<hbm>>
    %dma_start3A_27 = tpu.memref_slice %arg4[%add3A_23] : memref<320000xi32, #tpu.memory_space<hbm>> -> memref<80xi32, #tpu.memory_space<hbm>>
    tpu.enqueue_dma source(%dma_start3A_27 : memref<80xi32, #tpu.memory_space<hbm>>) target(%arg13 : memref<80xi32, #tpu.memory_space<vmem>>) target_semaphore(%arg26 : memref<!tpu.dma_semaphore, #tpu.memory_space<semaphore_mem>>)
    %barrier3A = arith.constant 0 : index
    tpu.barrier barrier_id(%barrier3A)
    %scan3A = arith.constant 0 : i32
    %scan3A_28 = arith.constant 0 : i32
    %scan3A_29 = arith.constant 31 : i32
    %scan3A_30 = arith.addi %scan3A_28, %scan3A_29 : i32
    %scan3A_31 = arith.constant 1 : i32
    scf.for %scan3A_56 = %scan3A_28 to %scan3A_30 step %scan3A_31  : i32 {
      %mul3A_57 = arith.constant 4 : i32
      %mul3A_58 = arith.muli %scan3A_56, %mul3A_57 : i32
      %mul3A_59 = arith.constant 80 : i32
      %mul3A_60 = arith.muli %mul3A_58, %mul3A_59 : i32
      %add3A_61 = arith.addi %mul3A_4, %mul3A_60 : i32
      %gt3A = arith.constant 0 : i32
      %gt3A_62 = arith.cmpi sgt, %scan3A_56, %gt3A : i32
      %convert_element_type3A = arith.extui %gt3A_62 : i1 to i32
      %cond3A = arith.constant 0 : i32
      %cond3A_63 = arith.cmpi ne, %convert_element_type3A, %cond3A : i32
      scf.if %cond3A_63 {
        %dma_wait3A_150 = arith.constant 0 : i32
        %dma_wait3A_151 = arith.constant 0 : i32
        %dma_wait3A_152 = tpu.memref_slice %arg18[%dma_wait3A_150, %dma_wait3A_151] : memref<10000x128xf32, #tpu.memory_space<vmem_shared>> -> memref<10000x128xf32, #tpu.memory_space<vmem_shared>>
        tpu.wait_indirect_dma semaphore(%arg31 : memref<!tpu.dma_semaphore, #tpu.memory_space<semaphore_mem>>) src(%arg14 : memref<80x128xf32, #tpu.memory_space<vmem>>) dst(%dma_wait3A_152 : memref<10000x128xf32, #tpu.memory_space<vmem_shared>>)
        %add3A_153 = arith.constant 0 : i32
        %add3A_154 = arith.addi %add3A_61, %add3A_153 : i32
        %dma_start3A_155 = tpu.memref_slice %arg4[%add3A_154] : memref<320000xi32, #tpu.memory_space<hbm>> -> memref<80xi32, #tpu.memory_space<hbm>>
        %dma_start3A_156 = tpu.memref_slice %arg4[%add3A_154] : memref<320000xi32, #tpu.memory_space<hbm>> -> memref<80xi32, #tpu.memory_space<hbm>>
        tpu.enqueue_dma source(%dma_start3A_156 : memref<80xi32, #tpu.memory_space<hbm>>) target(%arg10 : memref<80xi32, #tpu.memory_space<vmem>>) target_semaphore(%arg23 : memref<!tpu.dma_semaphore, #tpu.memory_space<semaphore_mem>>)
      } else {
      }
      %dma_wait3A_64 = tpu.memref_slice %arg3[%mul3A_4] : memref<320000xi32, #tpu.memory_space<hbm>> -> memref<80xi32, #tpu.memory_space<hbm>>
      %dma_wait3A_65 = tpu.memref_slice %arg3[%mul3A_4] : memref<320000xi32, #tpu.memory_space<hbm>> -> memref<80xi32, #tpu.memory_space<hbm>>
      tpu.wait_dma2 semaphore(%arg19 : memref<!tpu.dma_semaphore, #tpu.memory_space<semaphore_mem>>) src(%dma_wait3A_65 : memref<80xi32, #tpu.memory_space<hbm>>) dst(%arg6 : memref<80xi32, #tpu.memory_space<vmem>>)
      %dma_start3A_66 = arith.constant 0 : i32
      %dma_start3A_67 = arith.constant 0 : i32
      %dma_start3A_68 = tpu.memref_slice %arg2[%dma_start3A_66, %dma_start3A_67] : memref<10000x128xf32, #tpu.memory_space<hbm>> -> memref<10000x128xf32, #tpu.memory_space<hbm>>
      tpu.enqueue_indirect_dma source(%dma_start3A_68 : memref<10000x128xf32, #tpu.memory_space<hbm>>) target(%arg14 : memref<80x128xf32, #tpu.memory_space<vmem>>) offsets(%arg6 : memref<80xi32, #tpu.memory_space<vmem>>) semaphore(%arg27 : memref<!tpu.dma_semaphore, #tpu.memory_space<semaphore_mem>>)
      %gt3A_69 = arith.constant 0 : i32
      %gt3A_70 = arith.cmpi sgt, %scan3A_56, %gt3A_69 : i32
      %convert_element_type3A_71 = arith.extui %gt3A_70 : i1 to i32
      %cond3A_72 = arith.constant 0 : i32
      %cond3A_73 = arith.cmpi ne, %convert_element_type3A_71, %cond3A_72 : i32
      scf.if %cond3A_73 {
        %dma_wait3A_150 = arith.constant 0 : i32
        %dma_wait3A_151 = arith.constant 0 : i32
        %dma_wait3A_152 = tpu.memref_slice %arg18[%dma_wait3A_150, %dma_wait3A_151] : memref<10000x128xf32, #tpu.memory_space<vmem_shared>> -> memref<10000x128xf32, #tpu.memory_space<vmem_shared>>
        tpu.wait_indirect_dma semaphore(%arg32 : memref<!tpu.dma_semaphore, #tpu.memory_space<semaphore_mem>>) src(%arg15 : memref<80x128xf32, #tpu.memory_space<vmem>>) dst(%dma_wait3A_152 : memref<10000x128xf32, #tpu.memory_space<vmem_shared>>)
        %add3A_153 = arith.constant 80 : i32
        %add3A_154 = arith.addi %add3A_61, %add3A_153 : i32
        %dma_start3A_155 = tpu.memref_slice %arg4[%add3A_154] : memref<320000xi32, #tpu.memory_space<hbm>> -> memref<80xi32, #tpu.memory_space<hbm>>
        %dma_start3A_156 = tpu.memref_slice %arg4[%add3A_154] : memref<320000xi32, #tpu.memory_space<hbm>> -> memref<80xi32, #tpu.memory_space<hbm>>
        tpu.enqueue_dma source(%dma_start3A_156 : memref<80xi32, #tpu.memory_space<hbm>>) target(%arg11 : memref<80xi32, #tpu.memory_space<vmem>>) target_semaphore(%arg24 : memref<!tpu.dma_semaphore, #tpu.memory_space<semaphore_mem>>)
      } else {
      }
      %dma_wait3A_74 = tpu.memref_slice %arg3[%mul3A_4] : memref<320000xi32, #tpu.memory_space<hbm>> -> memref<80xi32, #tpu.memory_space<hbm>>
      %dma_wait3A_75 = tpu.memref_slice %arg3[%mul3A_4] : memref<320000xi32, #tpu.memory_space<hbm>> -> memref<80xi32, #tpu.memory_space<hbm>>
      tpu.wait_dma2 semaphore(%arg20 : memref<!tpu.dma_semaphore, #tpu.memory_space<semaphore_mem>>) src(%dma_wait3A_75 : memref<80xi32, #tpu.memory_space<hbm>>) dst(%arg7 : memref<80xi32, #tpu.memory_space<vmem>>)
      %dma_start3A_76 = arith.constant 0 : i32
      %dma_start3A_77 = arith.constant 0 : i32
      %dma_start3A_78 = tpu.memref_slice %arg2[%dma_start3A_76, %dma_start3A_77] : memref<10000x128xf32, #tpu.memory_space<hbm>> -> memref<10000x128xf32, #tpu.memory_space<hbm>>
      tpu.enqueue_indirect_dma source(%dma_start3A_78 : memref<10000x128xf32, #tpu.memory_space<hbm>>) target(%arg15 : memref<80x128xf32, #tpu.memory_space<vmem>>) offsets(%arg7 : memref<80xi32, #tpu.memory_space<vmem>>) semaphore(%arg28 : memref<!tpu.dma_semaphore, #tpu.memory_space<semaphore_mem>>)
      %gt3A_79 = arith.constant 0 : i32
      %gt3A_80 = arith.cmpi sgt, %scan3A_56, %gt3A_79 : i32
      %convert_element_type3A_81 = arith.extui %gt3A_80 : i1 to i32
      %cond3A_82 = arith.constant 0 : i32
      %cond3A_83 = arith.cmpi ne, %convert_element_type3A_81, %cond3A_82 : i32
      scf.if %cond3A_83 {
        %dma_wait3A_150 = arith.constant 0 : i32
        %dma_wait3A_151 = arith.constant 0 : i32
        %dma_wait3A_152 = tpu.memref_slice %arg18[%dma_wait3A_150, %dma_wait3A_151] : memref<10000x128xf32, #tpu.memory_space<vmem_shared>> -> memref<10000x128xf32, #tpu.memory_space<vmem_shared>>
        tpu.wait_indirect_dma semaphore(%arg33 : memref<!tpu.dma_semaphore, #tpu.memory_space<semaphore_mem>>) src(%arg16 : memref<80x128xf32, #tpu.memory_space<vmem>>) dst(%dma_wait3A_152 : memref<10000x128xf32, #tpu.memory_space<vmem_shared>>)
        %add3A_153 = arith.constant 160 : i32
        %add3A_154 = arith.addi %add3A_61, %add3A_153 : i32
        %dma_start3A_155 = tpu.memref_slice %arg4[%add3A_154] : memref<320000xi32, #tpu.memory_space<hbm>> -> memref<80xi32, #tpu.memory_space<hbm>>
        %dma_start3A_156 = tpu.memref_slice %arg4[%add3A_154] : memref<320000xi32, #tpu.memory_space<hbm>> -> memref<80xi32, #tpu.memory_space<hbm>>
        tpu.enqueue_dma source(%dma_start3A_156 : memref<80xi32, #tpu.memory_space<hbm>>) target(%arg12 : memref<80xi32, #tpu.memory_space<vmem>>) target_semaphore(%arg25 : memref<!tpu.dma_semaphore, #tpu.memory_space<semaphore_mem>>)
      } else {
      }
      %dma_wait3A_84 = tpu.memref_slice %arg3[%mul3A_4] : memref<320000xi32, #tpu.memory_space<hbm>> -> memref<80xi32, #tpu.memory_space<hbm>>
      %dma_wait3A_85 = tpu.memref_slice %arg3[%mul3A_4] : memref<320000xi32, #tpu.memory_space<hbm>> -> memref<80xi32, #tpu.memory_space<hbm>>
      tpu.wait_dma2 semaphore(%arg21 : memref<!tpu.dma_semaphore, #tpu.memory_space<semaphore_mem>>) src(%dma_wait3A_85 : memref<80xi32, #tpu.memory_space<hbm>>) dst(%arg8 : memref<80xi32, #tpu.memory_space<vmem>>)
      %dma_start3A_86 = arith.constant 0 : i32
      %dma_start3A_87 = arith.constant 0 : i32
      %dma_start3A_88 = tpu.memref_slice %arg2[%dma_start3A_86, %dma_start3A_87] : memref<10000x128xf32, #tpu.memory_space<hbm>> -> memref<10000x128xf32, #tpu.memory_space<hbm>>
      tpu.enqueue_indirect_dma source(%dma_start3A_88 : memref<10000x128xf32, #tpu.memory_space<hbm>>) target(%arg16 : memref<80x128xf32, #tpu.memory_space<vmem>>) offsets(%arg8 : memref<80xi32, #tpu.memory_space<vmem>>) semaphore(%arg29 : memref<!tpu.dma_semaphore, #tpu.memory_space<semaphore_mem>>)
      %gt3A_89 = arith.constant 0 : i32
      %gt3A_90 = arith.cmpi sgt, %scan3A_56, %gt3A_89 : i32
      %convert_element_type3A_91 = arith.extui %gt3A_90 : i1 to i32
      %cond3A_92 = arith.constant 0 : i32
      %cond3A_93 = arith.cmpi ne, %convert_element_type3A_91, %cond3A_92 : i32
      scf.if %cond3A_93 {
        %dma_wait3A_150 = arith.constant 0 : i32
        %dma_wait3A_151 = arith.constant 0 : i32
        %dma_wait3A_152 = tpu.memref_slice %arg18[%dma_wait3A_150, %dma_wait3A_151] : memref<10000x128xf32, #tpu.memory_space<vmem_shared>> -> memref<10000x128xf32, #tpu.memory_space<vmem_shared>>
        tpu.wait_indirect_dma semaphore(%arg34 : memref<!tpu.dma_semaphore, #tpu.memory_space<semaphore_mem>>) src(%arg17 : memref<80x128xf32, #tpu.memory_space<vmem>>) dst(%dma_wait3A_152 : memref<10000x128xf32, #tpu.memory_space<vmem_shared>>)
        %add3A_153 = arith.constant 240 : i32
        %add3A_154 = arith.addi %add3A_61, %add3A_153 : i32
        %dma_start3A_155 = tpu.memref_slice %arg4[%add3A_154] : memref<320000xi32, #tpu.memory_space<hbm>> -> memref<80xi32, #tpu.memory_space<hbm>>
        %dma_start3A_156 = tpu.memref_slice %arg4[%add3A_154] : memref<320000xi32, #tpu.memory_space<hbm>> -> memref<80xi32, #tpu.memory_space<hbm>>
        tpu.enqueue_dma source(%dma_start3A_156 : memref<80xi32, #tpu.memory_space<hbm>>) target(%arg13 : memref<80xi32, #tpu.memory_space<vmem>>) target_semaphore(%arg26 : memref<!tpu.dma_semaphore, #tpu.memory_space<semaphore_mem>>)
      } else {
      }
      %dma_wait3A_94 = tpu.memref_slice %arg3[%mul3A_4] : memref<320000xi32, #tpu.memory_space<hbm>> -> memref<80xi32, #tpu.memory_space<hbm>>
      %dma_wait3A_95 = tpu.memref_slice %arg3[%mul3A_4] : memref<320000xi32, #tpu.memory_space<hbm>> -> memref<80xi32, #tpu.memory_space<hbm>>
      tpu.wait_dma2 semaphore(%arg22 : memref<!tpu.dma_semaphore, #tpu.memory_space<semaphore_mem>>) src(%dma_wait3A_95 : memref<80xi32, #tpu.memory_space<hbm>>) dst(%arg9 : memref<80xi32, #tpu.memory_space<vmem>>)
      %dma_start3A_96 = arith.constant 0 : i32
      %dma_start3A_97 = arith.constant 0 : i32
      %dma_start3A_98 = tpu.memref_slice %arg2[%dma_start3A_96, %dma_start3A_97] : memref<10000x128xf32, #tpu.memory_space<hbm>> -> memref<10000x128xf32, #tpu.memory_space<hbm>>
      tpu.enqueue_indirect_dma source(%dma_start3A_98 : memref<10000x128xf32, #tpu.memory_space<hbm>>) target(%arg17 : memref<80x128xf32, #tpu.memory_space<vmem>>) offsets(%arg9 : memref<80xi32, #tpu.memory_space<vmem>>) semaphore(%arg30 : memref<!tpu.dma_semaphore, #tpu.memory_space<semaphore_mem>>)
      %dma_wait3A_99 = arith.constant 0 : i32
      %dma_wait3A_100 = arith.constant 0 : i32
      %dma_wait3A_101 = tpu.memref_slice %arg2[%dma_wait3A_99, %dma_wait3A_100] : memref<10000x128xf32, #tpu.memory_space<hbm>> -> memref<10000x128xf32, #tpu.memory_space<hbm>>
      tpu.wait_indirect_dma semaphore(%arg27 : memref<!tpu.dma_semaphore, #tpu.memory_space<semaphore_mem>>) src(%dma_wait3A_101 : memref<10000x128xf32, #tpu.memory_space<hbm>>) dst(%arg14 : memref<80x128xf32, #tpu.memory_space<vmem>>)
      %dma_wait3A_102 = tpu.memref_slice %arg4[%mul3A_4] : memref<320000xi32, #tpu.memory_space<hbm>> -> memref<80xi32, #tpu.memory_space<hbm>>
      %dma_wait3A_103 = tpu.memref_slice %arg4[%mul3A_4] : memref<320000xi32, #tpu.memory_space<hbm>> -> memref<80xi32, #tpu.memory_space<hbm>>
      tpu.wait_dma2 semaphore(%arg23 : memref<!tpu.dma_semaphore, #tpu.memory_space<semaphore_mem>>) src(%dma_wait3A_103 : memref<80xi32, #tpu.memory_space<hbm>>) dst(%arg10 : memref<80xi32, #tpu.memory_space<vmem>>)
      %dma_start3A_104 = arith.constant 0 : i32
      %dma_start3A_105 = arith.constant 0 : i32
      %dma_start3A_106 = tpu.memref_slice %arg18[%dma_start3A_104, %dma_start3A_105] : memref<10000x128xf32, #tpu.memory_space<vmem_shared>> -> memref<10000x128xf32, #tpu.memory_space<vmem_shared>>
      tpu.enqueue_indirect_dma source(%arg14 : memref<80x128xf32, #tpu.memory_space<vmem>>) target(%dma_start3A_106 : memref<10000x128xf32, #tpu.memory_space<vmem_shared>>) offsets(%arg10 : memref<80xi32, #tpu.memory_space<vmem>>) semaphore(%arg31 : memref<!tpu.dma_semaphore, #tpu.memory_space<semaphore_mem>>) {add = true}
      %lt3A = arith.constant 30 : i32
      %lt3A_107 = arith.cmpi slt, %scan3A_56, %lt3A : i32
      %convert_element_type3A_108 = arith.extui %lt3A_107 : i1 to i32
      %cond3A_109 = arith.constant 0 : i32
      %cond3A_110 = arith.cmpi ne, %convert_element_type3A_108, %cond3A_109 : i32
      scf.if %cond3A_110 {
        %add3A_150 = arith.constant 320 : i32
        %add3A_151 = arith.addi %add3A_61, %add3A_150 : i32
        %add3A_152 = arith.constant 0 : i32
        %add3A_153 = arith.addi %add3A_151, %add3A_152 : i32
        %dma_start3A_154 = tpu.memref_slice %arg3[%add3A_153] : memref<320000xi32, #tpu.memory_space<hbm>> -> memref<80xi32, #tpu.memory_space<hbm>>
        %dma_start3A_155 = tpu.memref_slice %arg3[%add3A_153] : memref<320000xi32, #tpu.memory_space<hbm>> -> memref<80xi32, #tpu.memory_space<hbm>>
        tpu.enqueue_dma source(%dma_start3A_155 : memref<80xi32, #tpu.memory_space<hbm>>) target(%arg6 : memref<80xi32, #tpu.memory_space<vmem>>) target_semaphore(%arg19 : memref<!tpu.dma_semaphore, #tpu.memory_space<semaphore_mem>>)
      } else {
      }
      %dma_wait3A_111 = arith.constant 0 : i32
      %dma_wait3A_112 = arith.constant 0 : i32
      %dma_wait3A_113 = tpu.memref_slice %arg2[%dma_wait3A_111, %dma_wait3A_112] : memref<10000x128xf32, #tpu.memory_space<hbm>> -> memref<10000x128xf32, #tpu.memory_space<hbm>>
      tpu.wait_indirect_dma semaphore(%arg28 : memref<!tpu.dma_semaphore, #tpu.memory_space<semaphore_mem>>) src(%dma_wait3A_113 : memref<10000x128xf32, #tpu.memory_space<hbm>>) dst(%arg15 : memref<80x128xf32, #tpu.memory_space<vmem>>)
      %dma_wait3A_114 = tpu.memref_slice %arg4[%mul3A_4] : memref<320000xi32, #tpu.memory_space<hbm>> -> memref<80xi32, #tpu.memory_space<hbm>>
      %dma_wait3A_115 = tpu.memref_slice %arg4[%mul3A_4] : memref<320000xi32, #tpu.memory_space<hbm>> -> memref<80xi32, #tpu.memory_space<hbm>>
      tpu.wait_dma2 semaphore(%arg24 : memref<!tpu.dma_semaphore, #tpu.memory_space<semaphore_mem>>) src(%dma_wait3A_115 : memref<80xi32, #tpu.memory_space<hbm>>) dst(%arg11 : memref<80xi32, #tpu.memory_space<vmem>>)
      %dma_start3A_116 = arith.constant 0 : i32
      %dma_start3A_117 = arith.constant 0 : i32
      %dma_start3A_118 = tpu.memref_slice %arg18[%dma_start3A_116, %dma_start3A_117] : memref<10000x128xf32, #tpu.memory_space<vmem_shared>> -> memref<10000x128xf32, #tpu.memory_space<vmem_shared>>
      tpu.enqueue_indirect_dma source(%arg15 : memref<80x128xf32, #tpu.memory_space<vmem>>) target(%dma_start3A_118 : memref<10000x128xf32, #tpu.memory_space<vmem_shared>>) offsets(%arg11 : memref<80xi32, #tpu.memory_space<vmem>>) semaphore(%arg32 : memref<!tpu.dma_semaphore, #tpu.memory_space<semaphore_mem>>) {add = true}
      %lt3A_119 = arith.constant 30 : i32
      %lt3A_120 = arith.cmpi slt, %scan3A_56, %lt3A_119 : i32
      %convert_element_type3A_121 = arith.extui %lt3A_120 : i1 to i32
      %cond3A_122 = arith.constant 0 : i32
      %cond3A_123 = arith.cmpi ne, %convert_element_type3A_121, %cond3A_122 : i32
      scf.if %cond3A_123 {
        %add3A_150 = arith.constant 320 : i32
        %add3A_151 = arith.addi %add3A_61, %add3A_150 : i32
        %add3A_152 = arith.constant 80 : i32
        %add3A_153 = arith.addi %add3A_151, %add3A_152 : i32
        %dma_start3A_154 = tpu.memref_slice %arg3[%add3A_153] : memref<320000xi32, #tpu.memory_space<hbm>> -> memref<80xi32, #tpu.memory_space<hbm>>
        %dma_start3A_155 = tpu.memref_slice %arg3[%add3A_153] : memref<320000xi32, #tpu.memory_space<hbm>> -> memref<80xi32, #tpu.memory_space<hbm>>
        tpu.enqueue_dma source(%dma_start3A_155 : memref<80xi32, #tpu.memory_space<hbm>>) target(%arg7 : memref<80xi32, #tpu.memory_space<vmem>>) target_semaphore(%arg20 : memref<!tpu.dma_semaphore, #tpu.memory_space<semaphore_mem>>)
      } else {
      }
      %dma_wait3A_124 = arith.constant 0 : i32
      %dma_wait3A_125 = arith.constant 0 : i32
      %dma_wait3A_126 = tpu.memref_slice %arg2[%dma_wait3A_124, %dma_wait3A_125] : memref<10000x128xf32, #tpu.memory_space<hbm>> -> memref<10000x128xf32, #tpu.memory_space<hbm>>
      tpu.wait_indirect_dma semaphore(%arg29 : memref<!tpu.dma_semaphore, #tpu.memory_space<semaphore_mem>>) src(%dma_wait3A_126 : memref<10000x128xf32, #tpu.memory_space<hbm>>) dst(%arg16 : memref<80x128xf32, #tpu.memory_space<vmem>>)
      %dma_wait3A_127 = tpu.memref_slice %arg4[%mul3A_4] : memref<320000xi32, #tpu.memory_space<hbm>> -> memref<80xi32, #tpu.memory_space<hbm>>
      %dma_wait3A_128 = tpu.memref_slice %arg4[%mul3A_4] : memref<320000xi32, #tpu.memory_space<hbm>> -> memref<80xi32, #tpu.memory_space<hbm>>
      tpu.wait_dma2 semaphore(%arg25 : memref<!tpu.dma_semaphore, #tpu.memory_space<semaphore_mem>>) src(%dma_wait3A_128 : memref<80xi32, #tpu.memory_space<hbm>>) dst(%arg12 : memref<80xi32, #tpu.memory_space<vmem>>)
      %dma_start3A_129 = arith.constant 0 : i32
      %dma_start3A_130 = arith.constant 0 : i32
      %dma_start3A_131 = tpu.memref_slice %arg18[%dma_start3A_129, %dma_start3A_130] : memref<10000x128xf32, #tpu.memory_space<vmem_shared>> -> memref<10000x128xf32, #tpu.memory_space<vmem_shared>>
      tpu.enqueue_indirect_dma source(%arg16 : memref<80x128xf32, #tpu.memory_space<vmem>>) target(%dma_start3A_131 : memref<10000x128xf32, #tpu.memory_space<vmem_shared>>) offsets(%arg12 : memref<80xi32, #tpu.memory_space<vmem>>) semaphore(%arg33 : memref<!tpu.dma_semaphore, #tpu.memory_space<semaphore_mem>>) {add = true}
      %lt3A_132 = arith.constant 30 : i32
      %lt3A_133 = arith.cmpi slt, %scan3A_56, %lt3A_132 : i32
      %convert_element_type3A_134 = arith.extui %lt3A_133 : i1 to i32
      %cond3A_135 = arith.constant 0 : i32
      %cond3A_136 = arith.cmpi ne, %convert_element_type3A_134, %cond3A_135 : i32
      scf.if %cond3A_136 {
        %add3A_150 = arith.constant 320 : i32
        %add3A_151 = arith.addi %add3A_61, %add3A_150 : i32
        %add3A_152 = arith.constant 160 : i32
        %add3A_153 = arith.addi %add3A_151, %add3A_152 : i32
        %dma_start3A_154 = tpu.memref_slice %arg3[%add3A_153] : memref<320000xi32, #tpu.memory_space<hbm>> -> memref<80xi32, #tpu.memory_space<hbm>>
        %dma_start3A_155 = tpu.memref_slice %arg3[%add3A_153] : memref<320000xi32, #tpu.memory_space<hbm>> -> memref<80xi32, #tpu.memory_space<hbm>>
        tpu.enqueue_dma source(%dma_start3A_155 : memref<80xi32, #tpu.memory_space<hbm>>) target(%arg8 : memref<80xi32, #tpu.memory_space<vmem>>) target_semaphore(%arg21 : memref<!tpu.dma_semaphore, #tpu.memory_space<semaphore_mem>>)
      } else {
      }
      %dma_wait3A_137 = arith.constant 0 : i32
      %dma_wait3A_138 = arith.constant 0 : i32
      %dma_wait3A_139 = tpu.memref_slice %arg2[%dma_wait3A_137, %dma_wait3A_138] : memref<10000x128xf32, #tpu.memory_space<hbm>> -> memref<10000x128xf32, #tpu.memory_space<hbm>>
      tpu.wait_indirect_dma semaphore(%arg30 : memref<!tpu.dma_semaphore, #tpu.memory_space<semaphore_mem>>) src(%dma_wait3A_139 : memref<10000x128xf32, #tpu.memory_space<hbm>>) dst(%arg17 : memref<80x128xf32, #tpu.memory_space<vmem>>)
      %dma_wait3A_140 = tpu.memref_slice %arg4[%mul3A_4] : memref<320000xi32, #tpu.memory_space<hbm>> -> memref<80xi32, #tpu.memory_space<hbm>>
      %dma_wait3A_141 = tpu.memref_slice %arg4[%mul3A_4] : memref<320000xi32, #tpu.memory_space<hbm>> -> memref<80xi32, #tpu.memory_space<hbm>>
      tpu.wait_dma2 semaphore(%arg26 : memref<!tpu.dma_semaphore, #tpu.memory_space<semaphore_mem>>) src(%dma_wait3A_141 : memref<80xi32, #tpu.memory_space<hbm>>) dst(%arg13 : memref<80xi32, #tpu.memory_space<vmem>>)
      %dma_start3A_142 = arith.constant 0 : i32
      %dma_start3A_143 = arith.constant 0 : i32
      %dma_start3A_144 = tpu.memref_slice %arg18[%dma_start3A_142, %dma_start3A_143] : memref<10000x128xf32, #tpu.memory_space<vmem_shared>> -> memref<10000x128xf32, #tpu.memory_space<vmem_shared>>
      tpu.enqueue_indirect_dma source(%arg17 : memref<80x128xf32, #tpu.memory_space<vmem>>) target(%dma_start3A_144 : memref<10000x128xf32, #tpu.memory_space<vmem_shared>>) offsets(%arg13 : memref<80xi32, #tpu.memory_space<vmem>>) semaphore(%arg34 : memref<!tpu.dma_semaphore, #tpu.memory_space<semaphore_mem>>) {add = true}
      %lt3A_145 = arith.constant 30 : i32
      %lt3A_146 = arith.cmpi slt, %scan3A_56, %lt3A_145 : i32
      %convert_element_type3A_147 = arith.extui %lt3A_146 : i1 to i32
      %cond3A_148 = arith.constant 0 : i32
      %cond3A_149 = arith.cmpi ne, %convert_element_type3A_147, %cond3A_148 : i32
      scf.if %cond3A_149 {
        %add3A_150 = arith.constant 320 : i32
        %add3A_151 = arith.addi %add3A_61, %add3A_150 : i32
        %add3A_152 = arith.constant 240 : i32
        %add3A_153 = arith.addi %add3A_151, %add3A_152 : i32
        %dma_start3A_154 = tpu.memref_slice %arg3[%add3A_153] : memref<320000xi32, #tpu.memory_space<hbm>> -> memref<80xi32, #tpu.memory_space<hbm>>
        %dma_start3A_155 = tpu.memref_slice %arg3[%add3A_153] : memref<320000xi32, #tpu.memory_space<hbm>> -> memref<80xi32, #tpu.memory_space<hbm>>
        tpu.enqueue_dma source(%dma_start3A_155 : memref<80xi32, #tpu.memory_space<hbm>>) target(%arg9 : memref<80xi32, #tpu.memory_space<vmem>>) target_semaphore(%arg22 : memref<!tpu.dma_semaphore, #tpu.memory_space<semaphore_mem>>)
      } else {
      }
    }
    %scan3A_32 = arith.constant 31 : i32
    %dma_wait3A = arith.constant 0 : i32
    %dma_wait3A_33 = arith.constant 0 : i32
    %dma_wait3A_34 = tpu.memref_slice %arg18[%dma_wait3A, %dma_wait3A_33] : memref<10000x128xf32, #tpu.memory_space<vmem_shared>> -> memref<10000x128xf32, #tpu.memory_space<vmem_shared>>
    tpu.wait_indirect_dma semaphore(%arg31 : memref<!tpu.dma_semaphore, #tpu.memory_space<semaphore_mem>>) src(%arg14 : memref<80x128xf32, #tpu.memory_space<vmem>>) dst(%dma_wait3A_34 : memref<10000x128xf32, #tpu.memory_space<vmem_shared>>)
    %dma_wait3A_35 = arith.constant 0 : i32
    %dma_wait3A_36 = arith.constant 0 : i32
    %dma_wait3A_37 = tpu.memref_slice %arg18[%dma_wait3A_35, %dma_wait3A_36] : memref<10000x128xf32, #tpu.memory_space<vmem_shared>> -> memref<10000x128xf32, #tpu.memory_space<vmem_shared>>
    tpu.wait_indirect_dma semaphore(%arg32 : memref<!tpu.dma_semaphore, #tpu.memory_space<semaphore_mem>>) src(%arg15 : memref<80x128xf32, #tpu.memory_space<vmem>>) dst(%dma_wait3A_37 : memref<10000x128xf32, #tpu.memory_space<vmem_shared>>)
    %dma_wait3A_38 = arith.constant 0 : i32
    %dma_wait3A_39 = arith.constant 0 : i32
    %dma_wait3A_40 = tpu.memref_slice %arg18[%dma_wait3A_38, %dma_wait3A_39] : memref<10000x128xf32, #tpu.memory_space<vmem_shared>> -> memref<10000x128xf32, #tpu.memory_space<vmem_shared>>
    tpu.wait_indirect_dma semaphore(%arg33 : memref<!tpu.dma_semaphore, #tpu.memory_space<semaphore_mem>>) src(%arg16 : memref<80x128xf32, #tpu.memory_space<vmem>>) dst(%dma_wait3A_40 : memref<10000x128xf32, #tpu.memory_space<vmem_shared>>)
    %dma_wait3A_41 = arith.constant 0 : i32
    %dma_wait3A_42 = arith.constant 0 : i32
    %dma_wait3A_43 = tpu.memref_slice %arg18[%dma_wait3A_41, %dma_wait3A_42] : memref<10000x128xf32, #tpu.memory_space<vmem_shared>> -> memref<10000x128xf32, #tpu.memory_space<vmem_shared>>
    tpu.wait_indirect_dma semaphore(%arg34 : memref<!tpu.dma_semaphore, #tpu.memory_space<semaphore_mem>>) src(%arg17 : memref<80x128xf32, #tpu.memory_space<vmem>>) dst(%dma_wait3A_43 : memref<10000x128xf32, #tpu.memory_space<vmem_shared>>)
    %add3A_44 = arith.constant 9920 : i32
    %add3A_45 = arith.addi %mul3A_4, %add3A_44 : i32
    "tpu.region"() ({
      %run_scoped3A = tpu.sem_alloc : memref<!tpu.dma_semaphore, #tpu.memory_space<semaphore_mem>>
      %dma_start3A_56 = tpu.memref_slice %arg3[%add3A_45] : memref<320000xi32, #tpu.memory_space<hbm>> -> memref<80xi32, #tpu.memory_space<hbm>>
      %dma_start3A_57 = tpu.memref_slice %arg3[%add3A_45] : memref<320000xi32, #tpu.memory_space<hbm>> -> memref<80xi32, #tpu.memory_space<hbm>>
      tpu.enqueue_dma source(%dma_start3A_57 : memref<80xi32, #tpu.memory_space<hbm>>) target(%arg6 : memref<80xi32, #tpu.memory_space<vmem>>) target_semaphore(%run_scoped3A : memref<!tpu.dma_semaphore, #tpu.memory_space<semaphore_mem>>)
      %dma_wait3A_58 = tpu.memref_slice %arg3[%add3A_45] : memref<320000xi32, #tpu.memory_space<hbm>> -> memref<80xi32, #tpu.memory_space<hbm>>
      %dma_wait3A_59 = tpu.memref_slice %arg3[%add3A_45] : memref<320000xi32, #tpu.memory_space<hbm>> -> memref<80xi32, #tpu.memory_space<hbm>>
      tpu.wait_dma2 semaphore(%run_scoped3A : memref<!tpu.dma_semaphore, #tpu.memory_space<semaphore_mem>>) src(%dma_wait3A_59 : memref<80xi32, #tpu.memory_space<hbm>>) dst(%arg6 : memref<80xi32, #tpu.memory_space<vmem>>)
      tpu.yield
    }) : () -> ()
    "tpu.region"() ({
      %run_scoped3A = tpu.sem_alloc : memref<!tpu.dma_semaphore, #tpu.memory_space<semaphore_mem>>
      %dma_start3A_56 = tpu.memref_slice %arg4[%add3A_45] : memref<320000xi32, #tpu.memory_space<hbm>> -> memref<80xi32, #tpu.memory_space<hbm>>
      %dma_start3A_57 = tpu.memref_slice %arg4[%add3A_45] : memref<320000xi32, #tpu.memory_space<hbm>> -> memref<80xi32, #tpu.memory_space<hbm>>
      tpu.enqueue_dma source(%dma_start3A_57 : memref<80xi32, #tpu.memory_space<hbm>>) target(%arg10 : memref<80xi32, #tpu.memory_space<vmem>>) target_semaphore(%run_scoped3A : memref<!tpu.dma_semaphore, #tpu.memory_space<semaphore_mem>>)
      %dma_wait3A_58 = tpu.memref_slice %arg4[%add3A_45] : memref<320000xi32, #tpu.memory_space<hbm>> -> memref<80xi32, #tpu.memory_space<hbm>>
      %dma_wait3A_59 = tpu.memref_slice %arg4[%add3A_45] : memref<320000xi32, #tpu.memory_space<hbm>> -> memref<80xi32, #tpu.memory_space<hbm>>
      tpu.wait_dma2 semaphore(%run_scoped3A : memref<!tpu.dma_semaphore, #tpu.memory_space<semaphore_mem>>) src(%dma_wait3A_59 : memref<80xi32, #tpu.memory_space<hbm>>) dst(%arg10 : memref<80xi32, #tpu.memory_space<vmem>>)
      tpu.yield
    }) : () -> ()
    %dma_start3A_46 = arith.constant 0 : i32
    %dma_start3A_47 = arith.constant 0 : i32
    %dma_start3A_48 = tpu.memref_slice %arg2[%dma_start3A_46, %dma_start3A_47] : memref<10000x128xf32, #tpu.memory_space<hbm>> -> memref<10000x128xf32, #tpu.memory_space<hbm>>
    tpu.enqueue_indirect_dma source(%dma_start3A_48 : memref<10000x128xf32, #tpu.memory_space<hbm>>) target(%arg14 : memref<80x128xf32, #tpu.memory_space<vmem>>) offsets(%arg6 : memref<80xi32, #tpu.memory_space<vmem>>) semaphore(%arg27 : memref<!tpu.dma_semaphore, #tpu.memory_space<semaphore_mem>>)
    %dma_wait3A_49 = arith.constant 0 : i32
    %dma_wait3A_50 = arith.constant 0 : i32
    %dma_wait3A_51 = tpu.memref_slice %arg2[%dma_wait3A_49, %dma_wait3A_50] : memref<10000x128xf32, #tpu.memory_space<hbm>> -> memref<10000x128xf32, #tpu.memory_space<hbm>>
    tpu.wait_indirect_dma semaphore(%arg27 : memref<!tpu.dma_semaphore, #tpu.memory_space<semaphore_mem>>) src(%dma_wait3A_51 : memref<10000x128xf32, #tpu.memory_space<hbm>>) dst(%arg14 : memref<80x128xf32, #tpu.memory_space<vmem>>)
    "tpu.region"() ({
      %run_scoped3A = tpu.sem_alloc : memref<!tpu.dma_semaphore, #tpu.memory_space<semaphore_mem>>
      %dma_start3A_56 = arith.constant 0 : i32
      %dma_start3A_57 = arith.constant 0 : i32
      %dma_start3A_58 = tpu.memref_slice %arg18[%dma_start3A_56, %dma_start3A_57] : memref<10000x128xf32, #tpu.memory_space<vmem_shared>> -> memref<10000x128xf32, #tpu.memory_space<vmem_shared>>
      tpu.enqueue_indirect_dma source(%arg14 : memref<80x128xf32, #tpu.memory_space<vmem>>) target(%dma_start3A_58 : memref<10000x128xf32, #tpu.memory_space<vmem_shared>>) offsets(%arg10 : memref<80xi32, #tpu.memory_space<vmem>>) semaphore(%run_scoped3A : memref<!tpu.dma_semaphore, #tpu.memory_space<semaphore_mem>>) {add = true}
      %dma_wait3A_59 = arith.constant 0 : i32
      %dma_wait3A_60 = arith.constant 0 : i32
      %dma_wait3A_61 = tpu.memref_slice %arg18[%dma_wait3A_59, %dma_wait3A_60] : memref<10000x128xf32, #tpu.memory_space<vmem_shared>> -> memref<10000x128xf32, #tpu.memory_space<vmem_shared>>
      tpu.wait_indirect_dma semaphore(%run_scoped3A : memref<!tpu.dma_semaphore, #tpu.memory_space<semaphore_mem>>) src(%arg14 : memref<80x128xf32, #tpu.memory_space<vmem>>) dst(%dma_wait3A_61 : memref<10000x128xf32, #tpu.memory_space<vmem_shared>>)
      tpu.yield
    }) : () -> ()
    %barrier3A_52 = arith.constant 0 : index
    tpu.barrier barrier_id(%barrier3A_52)
    %mul3A_53 = arith.constant 10000 : i32
    %mul3A_54 = arith.muli %arg0, %mul3A_53 : i32
    %add3A_55 = arith.addi %mul3A_54, %mul3A_2 : i32
    "tpu.region"() ({
      %run_scoped3A = tpu.sem_alloc : memref<!tpu.dma_semaphore, #tpu.memory_space<semaphore_mem>>
      %dma_start3A_56 = arith.constant 0 : i32
      %dma_start3A_57 = tpu.memref_slice %arg5[%add3A_55, %dma_start3A_56] : memref<20000x128xf32, #tpu.memory_space<hbm>> -> memref<640x128xf32, #tpu.memory_space<hbm>>
      %dma_start3A_58 = arith.constant 0 : i32
      %dma_start3A_59 = tpu.memref_slice %arg18[%mul3A_2, %dma_start3A_58] : memref<10000x128xf32, #tpu.memory_space<vmem_shared>> -> memref<640x128xf32, #tpu.memory_space<vmem_shared>>
      tpu.enqueue_dma source(%dma_start3A_59 : memref<640x128xf32, #tpu.memory_space<vmem_shared>>) target(%dma_start3A_57 : memref<640x128xf32, #tpu.memory_space<hbm>>) target_semaphore(%run_scoped3A : memref<!tpu.dma_semaphore, #tpu.memory_space<semaphore_mem>>)
      %dma_wait3A_60 = arith.constant 0 : i32
      %dma_wait3A_61 = tpu.memref_slice %arg5[%add3A_55, %dma_wait3A_60] : memref<20000x128xf32, #tpu.memory_space<hbm>> -> memref<640x128xf32, #tpu.memory_space<hbm>>
      %dma_wait3A_62 = arith.constant 0 : i32
      %dma_wait3A_63 = tpu.memref_slice %arg18[%mul3A_2, %dma_wait3A_62] : memref<10000x128xf32, #tpu.memory_space<vmem_shared>> -> memref<640x128xf32, #tpu.memory_space<vmem_shared>>
      tpu.wait_dma2 semaphore(%run_scoped3A : memref<!tpu.dma_semaphore, #tpu.memory_space<semaphore_mem>>) src(%dma_wait3A_63 : memref<640x128xf32, #tpu.memory_space<vmem_shared>>) dst(%dma_wait3A_61 : memref<640x128xf32, #tpu.memory_space<hbm>>)
      tpu.yield
    }) : () -> ()
    return
  }
}

#map = affine_map<(d0, d1) -> (0, 0)>
#map1 = affine_map<(d0, d1) -> (0)>
module attributes {stable_mosaic.version = 14 : i64} {
  func.func @agg(%arg0: i32, %arg1: i32, %arg2: memref<10000x128xf32, #tpu.memory_space<hbm>>, %arg3: memref<320000xi32, #tpu.memory_space<hbm>>, %arg4: memref<320000xi32, #tpu.memory_space<hbm>>, %arg5: memref<20000x128xf32, #tpu.memory_space<hbm>>, %arg6: memref<80xi32, #tpu.memory_space<vmem>>, %arg7: memref<80xi32, #tpu.memory_space<vmem>>, %arg8: memref<80xi32, #tpu.memory_space<vmem>>, %arg9: memref<80xi32, #tpu.memory_space<vmem>>, %arg10: memref<80xi32, #tpu.memory_space<vmem>>, %arg11: memref<80xi32, #tpu.memory_space<vmem>>, %arg12: memref<80xi32, #tpu.memory_space<vmem>>, %arg13: memref<80xi32, #tpu.memory_space<vmem>>, %arg14: memref<80x128xf32, #tpu.memory_space<vmem>>, %arg15: memref<80x128xf32, #tpu.memory_space<vmem>>, %arg16: memref<80x128xf32, #tpu.memory_space<vmem>>, %arg17: memref<80x128xf32, #tpu.memory_space<vmem>>, %arg18: memref<10000x128xf32, #tpu.memory_space<vmem_shared>>, %arg19: memref<!tpu.dma_semaphore, #tpu.memory_space<semaphore_mem>>, %arg20: memref<!tpu.dma_semaphore, #tpu.memory_space<semaphore_mem>>, %arg21: memref<!tpu.dma_semaphore, #tpu.memory_space<semaphore_mem>>, %arg22: memref<!tpu.dma_semaphore, #tpu.memory_space<semaphore_mem>>, %arg23: memref<!tpu.dma_semaphore, #tpu.memory_space<semaphore_mem>>, %arg24: memref<!tpu.dma_semaphore, #tpu.memory_space<semaphore_mem>>, %arg25: memref<!tpu.dma_semaphore, #tpu.memory_space<semaphore_mem>>, %arg26: memref<!tpu.dma_semaphore, #tpu.memory_space<semaphore_mem>>, %arg27: memref<!tpu.dma_semaphore, #tpu.memory_space<semaphore_mem>>, %arg28: memref<!tpu.dma_semaphore, #tpu.memory_space<semaphore_mem>>, %arg29: memref<!tpu.dma_semaphore, #tpu.memory_space<semaphore_mem>>, %arg30: memref<!tpu.dma_semaphore, #tpu.memory_space<semaphore_mem>>, %arg31: memref<!tpu.dma_semaphore, #tpu.memory_space<semaphore_mem>>, %arg32: memref<!tpu.dma_semaphore, #tpu.memory_space<semaphore_mem>>, %arg33: memref<!tpu.dma_semaphore, #tpu.memory_space<semaphore_mem>>, %arg34: memref<!tpu.dma_semaphore, #tpu.memory_space<semaphore_mem>>) attributes {dimension_semantics = [#tpu.dimension_semantics<core_parallel>, #tpu.dimension_semantics<subcore_parallel>], iteration_bounds = array<i64: 2, 16>, scalar_prefetch = 0 : i64, scratch_operands = 29 : i64, tpu.core_type = #tpu.core_type<sc_vector_subcore>, window_params = [{transform_indices = #map}, {transform_indices = #map1}, {transform_indices = #map1}, {transform_indices = #map}]} {
    %mul3A = arith.constant 2 : i32
    %mul3A_0 = arith.muli %arg1, %mul3A : i32
    %add3A = arith.addi %mul3A_0, %arg0 : i32
    %mul3A_1 = arith.constant 624 : i32
    %mul3A_2 = arith.muli %arg1, %mul3A_1 : i32
    "tpu.region"() ({
      %run_scoped3A = tpu.sem_alloc : memref<!tpu.dma_semaphore, #tpu.memory_space<semaphore_mem>>
      %dma_start3A_56 = arith.constant 0 : i32
      %dma_start3A_57 = tpu.memref_slice %arg18[%mul3A_2, %dma_start3A_56] : memref<10000x128xf32, #tpu.memory_space<vmem_shared>> -> memref<640x128xf32, #tpu.memory_space<vmem_shared>>
      %dma_start3A_58 = arith.constant 0 : i32
      %dma_start3A_59 = tpu.memref_slice %arg2[%mul3A_2, %dma_start3A_58] : memref<10000x128xf32, #tpu.memory_space<hbm>> -> memref<640x128xf32, #tpu.memory_space<hbm>>
      tpu.enqueue_dma source(%dma_start3A_59 : memref<640x128xf32, #tpu.memory_space<hbm>>) target(%dma_start3A_57 : memref<640x128xf32, #tpu.memory_space<vmem_shared>>) target_semaphore(%run_scoped3A : memref<!tpu.dma_semaphore, #tpu.memory_space<semaphore_mem>>)
      %dma_wait3A_60 = arith.constant 0 : i32
      %dma_wait3A_61 = tpu.memref_slice %arg18[%mul3A_2, %dma_wait3A_60] : memref<10000x128xf32, #tpu.memory_space<vmem_shared>> -> memref<640x128xf32, #tpu.memory_space<vmem_shared>>
      %dma_wait3A_62 = arith.constant 0 : i32
      %dma_wait3A_63 = tpu.memref_slice %arg2[%mul3A_2, %dma_wait3A_62] : memref<10000x128xf32, #tpu.memory_space<hbm>> -> memref<640x128xf32, #tpu.memory_space<hbm>>
      tpu.wait_dma2 semaphore(%run_scoped3A : memref<!tpu.dma_semaphore, #tpu.memory_space<semaphore_mem>>) src(%dma_wait3A_63 : memref<640x128xf32, #tpu.memory_space<hbm>>) dst(%dma_wait3A_61 : memref<640x128xf32, #tpu.memory_space<vmem_shared>>)
      tpu.yield
    }) : () -> ()
    %mul3A_3 = arith.constant 10000 : i32
    %mul3A_4 = arith.muli %add3A, %mul3A_3 : i32
    %add3A_5 = arith.constant 0 : i32
    %add3A_6 = arith.addi %mul3A_4, %add3A_5 : i32
    %dma_start3A = tpu.memref_slice %arg3[%add3A_6] : memref<320000xi32, #tpu.memory_space<hbm>> -> memref<80xi32, #tpu.memory_space<hbm>>
    %dma_start3A_7 = tpu.memref_slice %arg3[%add3A_6] : memref<320000xi32, #tpu.memory_space<hbm>> -> memref<80xi32, #tpu.memory_space<hbm>>
    tpu.enqueue_dma source(%dma_start3A_7 : memref<80xi32, #tpu.memory_space<hbm>>) target(%arg6 : memref<80xi32, #tpu.memory_space<vmem>>) target_semaphore(%arg19 : memref<!tpu.dma_semaphore, #tpu.memory_space<semaphore_mem>>)
    %dma_start3A_8 = tpu.memref_slice %arg4[%add3A_6] : memref<320000xi32, #tpu.memory_space<hbm>> -> memref<80xi32, #tpu.memory_space<hbm>>
    %dma_start3A_9 = tpu.memref_slice %arg4[%add3A_6] : memref<320000xi32, #tpu.memory_space<hbm>> -> memref<80xi32, #tpu.memory_space<hbm>>
    tpu.enqueue_dma source(%dma_start3A_9 : memref<80xi32, #tpu.memory_space<hbm>>) target(%arg10 : memref<80xi32, #tpu.memory_space<vmem>>) target_semaphore(%arg23 : memref<!tpu.dma_semaphore, #tpu.memory_space<semaphore_mem>>)
    %add3A_10 = arith.constant 80 : i32
    %add3A_11 = arith.addi %mul3A_4, %add3A_10 : i32
    %dma_start3A_12 = tpu.memref_slice %arg3[%add3A_11] : memref<320000xi32, #tpu.memory_space<hbm>> -> memref<80xi32, #tpu.memory_space<hbm>>
    %dma_start3A_13 = tpu.memref_slice %arg3[%add3A_11] : memref<320000xi32, #tpu.memory_space<hbm>> -> memref<80xi32, #tpu.memory_space<hbm>>
    tpu.enqueue_dma source(%dma_start3A_13 : memref<80xi32, #tpu.memory_space<hbm>>) target(%arg7 : memref<80xi32, #tpu.memory_space<vmem>>) target_semaphore(%arg20 : memref<!tpu.dma_semaphore, #tpu.memory_space<semaphore_mem>>)
    %dma_start3A_14 = tpu.memref_slice %arg4[%add3A_11] : memref<320000xi32, #tpu.memory_space<hbm>> -> memref<80xi32, #tpu.memory_space<hbm>>
    %dma_start3A_15 = tpu.memref_slice %arg4[%add3A_11] : memref<320000xi32, #tpu.memory_space<hbm>> -> memref<80xi32, #tpu.memory_space<hbm>>
    tpu.enqueue_dma source(%dma_start3A_15 : memref<80xi32, #tpu.memory_space<hbm>>) target(%arg11 : memref<80xi32, #tpu.memory_space<vmem>>) target_semaphore(%arg24 : memref<!tpu.dma_semaphore, #tpu.memory_space<semaphore_mem>>)
    %add3A_16 = arith.constant 160 : i32
    %add3A_17 = arith.addi %mul3A_4, %add3A_16 : i32
    %dma_start3A_18 = tpu.memref_slice %arg3[%add3A_17] : memref<320000xi32, #tpu.memory_space<hbm>> -> memref<80xi32, #tpu.memory_space<hbm>>
    %dma_start3A_19 = tpu.memref_slice %arg3[%add3A_17] : memref<320000xi32, #tpu.memory_space<hbm>> -> memref<80xi32, #tpu.memory_space<hbm>>
    tpu.enqueue_dma source(%dma_start3A_19 : memref<80xi32, #tpu.memory_space<hbm>>) target(%arg8 : memref<80xi32, #tpu.memory_space<vmem>>) target_semaphore(%arg21 : memref<!tpu.dma_semaphore, #tpu.memory_space<semaphore_mem>>)
    %dma_start3A_20 = tpu.memref_slice %arg4[%add3A_17] : memref<320000xi32, #tpu.memory_space<hbm>> -> memref<80xi32, #tpu.memory_space<hbm>>
    %dma_start3A_21 = tpu.memref_slice %arg4[%add3A_17] : memref<320000xi32, #tpu.memory_space<hbm>> -> memref<80xi32, #tpu.memory_space<hbm>>
    tpu.enqueue_dma source(%dma_start3A_21 : memref<80xi32, #tpu.memory_space<hbm>>) target(%arg12 : memref<80xi32, #tpu.memory_space<vmem>>) target_semaphore(%arg25 : memref<!tpu.dma_semaphore, #tpu.memory_space<semaphore_mem>>)
    %add3A_22 = arith.constant 240 : i32
    %add3A_23 = arith.addi %mul3A_4, %add3A_22 : i32
    %dma_start3A_24 = tpu.memref_slice %arg3[%add3A_23] : memref<320000xi32, #tpu.memory_space<hbm>> -> memref<80xi32, #tpu.memory_space<hbm>>
    %dma_start3A_25 = tpu.memref_slice %arg3[%add3A_23] : memref<320000xi32, #tpu.memory_space<hbm>> -> memref<80xi32, #tpu.memory_space<hbm>>
    tpu.enqueue_dma source(%dma_start3A_25 : memref<80xi32, #tpu.memory_space<hbm>>) target(%arg9 : memref<80xi32, #tpu.memory_space<vmem>>) target_semaphore(%arg22 : memref<!tpu.dma_semaphore, #tpu.memory_space<semaphore_mem>>)
    %dma_start3A_26 = tpu.memref_slice %arg4[%add3A_23] : memref<320000xi32, #tpu.memory_space<hbm>> -> memref<80xi32, #tpu.memory_space<hbm>>
    %dma_start3A_27 = tpu.memref_slice %arg4[%add3A_23] : memref<320000xi32, #tpu.memory_space<hbm>> -> memref<80xi32, #tpu.memory_space<hbm>>
    tpu.enqueue_dma source(%dma_start3A_27 : memref<80xi32, #tpu.memory_space<hbm>>) target(%arg13 : memref<80xi32, #tpu.memory_space<vmem>>) target_semaphore(%arg26 : memref<!tpu.dma_semaphore, #tpu.memory_space<semaphore_mem>>)
    %barrier3A = arith.constant 0 : index
    tpu.barrier barrier_id(%barrier3A)
    %scan3A = arith.constant 0 : i32
    %scan3A_28 = arith.constant 0 : i32
    %scan3A_29 = arith.constant 31 : i32
    %scan3A_30 = arith.addi %scan3A_28, %scan3A_29 : i32
    %scan3A_31 = arith.constant 1 : i32
    scf.for %scan3A_56 = %scan3A_28 to %scan3A_30 step %scan3A_31  : i32 {
      %mul3A_57 = arith.constant 4 : i32
      %mul3A_58 = arith.muli %scan3A_56, %mul3A_57 : i32
      %mul3A_59 = arith.constant 80 : i32
      %mul3A_60 = arith.muli %mul3A_58, %mul3A_59 : i32
      %add3A_61 = arith.addi %mul3A_4, %mul3A_60 : i32
      %gt3A = arith.constant 0 : i32
      %gt3A_62 = arith.cmpi sgt, %scan3A_56, %gt3A : i32
      %convert_element_type3A = arith.extui %gt3A_62 : i1 to i32
      %cond3A = arith.constant 0 : i32
      %cond3A_63 = arith.cmpi ne, %convert_element_type3A, %cond3A : i32
      scf.if %cond3A_63 {
        %dma_wait3A_150 = arith.constant 0 : i32
        %dma_wait3A_151 = arith.constant 0 : i32
        %dma_wait3A_152 = tpu.memref_slice %arg18[%dma_wait3A_150, %dma_wait3A_151] : memref<10000x128xf32, #tpu.memory_space<vmem_shared>> -> memref<10000x128xf32, #tpu.memory_space<vmem_shared>>
        tpu.wait_indirect_dma semaphore(%arg31 : memref<!tpu.dma_semaphore, #tpu.memory_space<semaphore_mem>>) src(%arg14 : memref<80x128xf32, #tpu.memory_space<vmem>>) dst(%dma_wait3A_152 : memref<10000x128xf32, #tpu.memory_space<vmem_shared>>)
        %add3A_153 = arith.constant 0 : i32
        %add3A_154 = arith.addi %add3A_61, %add3A_153 : i32
        %dma_start3A_155 = tpu.memref_slice %arg4[%add3A_154] : memref<320000xi32, #tpu.memory_space<hbm>> -> memref<80xi32, #tpu.memory_space<hbm>>
        %dma_start3A_156 = tpu.memref_slice %arg4[%add3A_154] : memref<320000xi32, #tpu.memory_space<hbm>> -> memref<80xi32, #tpu.memory_space<hbm>>
        tpu.enqueue_dma source(%dma_start3A_156 : memref<80xi32, #tpu.memory_space<hbm>>) target(%arg10 : memref<80xi32, #tpu.memory_space<vmem>>) target_semaphore(%arg23 : memref<!tpu.dma_semaphore, #tpu.memory_space<semaphore_mem>>)
      } else {
      }
      %dma_wait3A_64 = tpu.memref_slice %arg3[%mul3A_4] : memref<320000xi32, #tpu.memory_space<hbm>> -> memref<80xi32, #tpu.memory_space<hbm>>
      %dma_wait3A_65 = tpu.memref_slice %arg3[%mul3A_4] : memref<320000xi32, #tpu.memory_space<hbm>> -> memref<80xi32, #tpu.memory_space<hbm>>
      tpu.wait_dma2 semaphore(%arg19 : memref<!tpu.dma_semaphore, #tpu.memory_space<semaphore_mem>>) src(%dma_wait3A_65 : memref<80xi32, #tpu.memory_space<hbm>>) dst(%arg6 : memref<80xi32, #tpu.memory_space<vmem>>)
      %dma_start3A_66 = arith.constant 0 : i32
      %dma_start3A_67 = arith.constant 0 : i32
      %dma_start3A_68 = tpu.memref_slice %arg2[%dma_start3A_66, %dma_start3A_67] : memref<10000x128xf32, #tpu.memory_space<hbm>> -> memref<10000x128xf32, #tpu.memory_space<hbm>>
      tpu.enqueue_indirect_dma source(%dma_start3A_68 : memref<10000x128xf32, #tpu.memory_space<hbm>>) target(%arg14 : memref<80x128xf32, #tpu.memory_space<vmem>>) offsets(%arg6 : memref<80xi32, #tpu.memory_space<vmem>>) semaphore(%arg27 : memref<!tpu.dma_semaphore, #tpu.memory_space<semaphore_mem>>)
      %gt3A_69 = arith.constant 0 : i32
      %gt3A_70 = arith.cmpi sgt, %scan3A_56, %gt3A_69 : i32
      %convert_element_type3A_71 = arith.extui %gt3A_70 : i1 to i32
      %cond3A_72 = arith.constant 0 : i32
      %cond3A_73 = arith.cmpi ne, %convert_element_type3A_71, %cond3A_72 : i32
      scf.if %cond3A_73 {
        %dma_wait3A_150 = arith.constant 0 : i32
        %dma_wait3A_151 = arith.constant 0 : i32
        %dma_wait3A_152 = tpu.memref_slice %arg18[%dma_wait3A_150, %dma_wait3A_151] : memref<10000x128xf32, #tpu.memory_space<vmem_shared>> -> memref<10000x128xf32, #tpu.memory_space<vmem_shared>>
        tpu.wait_indirect_dma semaphore(%arg32 : memref<!tpu.dma_semaphore, #tpu.memory_space<semaphore_mem>>) src(%arg15 : memref<80x128xf32, #tpu.memory_space<vmem>>) dst(%dma_wait3A_152 : memref<10000x128xf32, #tpu.memory_space<vmem_shared>>)
        %add3A_153 = arith.constant 80 : i32
        %add3A_154 = arith.addi %add3A_61, %add3A_153 : i32
        %dma_start3A_155 = tpu.memref_slice %arg4[%add3A_154] : memref<320000xi32, #tpu.memory_space<hbm>> -> memref<80xi32, #tpu.memory_space<hbm>>
        %dma_start3A_156 = tpu.memref_slice %arg4[%add3A_154] : memref<320000xi32, #tpu.memory_space<hbm>> -> memref<80xi32, #tpu.memory_space<hbm>>
        tpu.enqueue_dma source(%dma_start3A_156 : memref<80xi32, #tpu.memory_space<hbm>>) target(%arg11 : memref<80xi32, #tpu.memory_space<vmem>>) target_semaphore(%arg24 : memref<!tpu.dma_semaphore, #tpu.memory_space<semaphore_mem>>)
      } else {
      }
      %dma_wait3A_74 = tpu.memref_slice %arg3[%mul3A_4] : memref<320000xi32, #tpu.memory_space<hbm>> -> memref<80xi32, #tpu.memory_space<hbm>>
      %dma_wait3A_75 = tpu.memref_slice %arg3[%mul3A_4] : memref<320000xi32, #tpu.memory_space<hbm>> -> memref<80xi32, #tpu.memory_space<hbm>>
      tpu.wait_dma2 semaphore(%arg20 : memref<!tpu.dma_semaphore, #tpu.memory_space<semaphore_mem>>) src(%dma_wait3A_75 : memref<80xi32, #tpu.memory_space<hbm>>) dst(%arg7 : memref<80xi32, #tpu.memory_space<vmem>>)
      %dma_start3A_76 = arith.constant 0 : i32
      %dma_start3A_77 = arith.constant 0 : i32
      %dma_start3A_78 = tpu.memref_slice %arg2[%dma_start3A_76, %dma_start3A_77] : memref<10000x128xf32, #tpu.memory_space<hbm>> -> memref<10000x128xf32, #tpu.memory_space<hbm>>
      tpu.enqueue_indirect_dma source(%dma_start3A_78 : memref<10000x128xf32, #tpu.memory_space<hbm>>) target(%arg15 : memref<80x128xf32, #tpu.memory_space<vmem>>) offsets(%arg7 : memref<80xi32, #tpu.memory_space<vmem>>) semaphore(%arg28 : memref<!tpu.dma_semaphore, #tpu.memory_space<semaphore_mem>>)
      %gt3A_79 = arith.constant 0 : i32
      %gt3A_80 = arith.cmpi sgt, %scan3A_56, %gt3A_79 : i32
      %convert_element_type3A_81 = arith.extui %gt3A_80 : i1 to i32
      %cond3A_82 = arith.constant 0 : i32
      %cond3A_83 = arith.cmpi ne, %convert_element_type3A_81, %cond3A_82 : i32
      scf.if %cond3A_83 {
        %dma_wait3A_150 = arith.constant 0 : i32
        %dma_wait3A_151 = arith.constant 0 : i32
        %dma_wait3A_152 = tpu.memref_slice %arg18[%dma_wait3A_150, %dma_wait3A_151] : memref<10000x128xf32, #tpu.memory_space<vmem_shared>> -> memref<10000x128xf32, #tpu.memory_space<vmem_shared>>
        tpu.wait_indirect_dma semaphore(%arg33 : memref<!tpu.dma_semaphore, #tpu.memory_space<semaphore_mem>>) src(%arg16 : memref<80x128xf32, #tpu.memory_space<vmem>>) dst(%dma_wait3A_152 : memref<10000x128xf32, #tpu.memory_space<vmem_shared>>)
        %add3A_153 = arith.constant 160 : i32
        %add3A_154 = arith.addi %add3A_61, %add3A_153 : i32
        %dma_start3A_155 = tpu.memref_slice %arg4[%add3A_154] : memref<320000xi32, #tpu.memory_space<hbm>> -> memref<80xi32, #tpu.memory_space<hbm>>
        %dma_start3A_156 = tpu.memref_slice %arg4[%add3A_154] : memref<320000xi32, #tpu.memory_space<hbm>> -> memref<80xi32, #tpu.memory_space<hbm>>
        tpu.enqueue_dma source(%dma_start3A_156 : memref<80xi32, #tpu.memory_space<hbm>>) target(%arg12 : memref<80xi32, #tpu.memory_space<vmem>>) target_semaphore(%arg25 : memref<!tpu.dma_semaphore, #tpu.memory_space<semaphore_mem>>)
      } else {
      }
      %dma_wait3A_84 = tpu.memref_slice %arg3[%mul3A_4] : memref<320000xi32, #tpu.memory_space<hbm>> -> memref<80xi32, #tpu.memory_space<hbm>>
      %dma_wait3A_85 = tpu.memref_slice %arg3[%mul3A_4] : memref<320000xi32, #tpu.memory_space<hbm>> -> memref<80xi32, #tpu.memory_space<hbm>>
      tpu.wait_dma2 semaphore(%arg21 : memref<!tpu.dma_semaphore, #tpu.memory_space<semaphore_mem>>) src(%dma_wait3A_85 : memref<80xi32, #tpu.memory_space<hbm>>) dst(%arg8 : memref<80xi32, #tpu.memory_space<vmem>>)
      %dma_start3A_86 = arith.constant 0 : i32
      %dma_start3A_87 = arith.constant 0 : i32
      %dma_start3A_88 = tpu.memref_slice %arg2[%dma_start3A_86, %dma_start3A_87] : memref<10000x128xf32, #tpu.memory_space<hbm>> -> memref<10000x128xf32, #tpu.memory_space<hbm>>
      tpu.enqueue_indirect_dma source(%dma_start3A_88 : memref<10000x128xf32, #tpu.memory_space<hbm>>) target(%arg16 : memref<80x128xf32, #tpu.memory_space<vmem>>) offsets(%arg8 : memref<80xi32, #tpu.memory_space<vmem>>) semaphore(%arg29 : memref<!tpu.dma_semaphore, #tpu.memory_space<semaphore_mem>>)
      %gt3A_89 = arith.constant 0 : i32
      %gt3A_90 = arith.cmpi sgt, %scan3A_56, %gt3A_89 : i32
      %convert_element_type3A_91 = arith.extui %gt3A_90 : i1 to i32
      %cond3A_92 = arith.constant 0 : i32
      %cond3A_93 = arith.cmpi ne, %convert_element_type3A_91, %cond3A_92 : i32
      scf.if %cond3A_93 {
        %dma_wait3A_150 = arith.constant 0 : i32
        %dma_wait3A_151 = arith.constant 0 : i32
        %dma_wait3A_152 = tpu.memref_slice %arg18[%dma_wait3A_150, %dma_wait3A_151] : memref<10000x128xf32, #tpu.memory_space<vmem_shared>> -> memref<10000x128xf32, #tpu.memory_space<vmem_shared>>
        tpu.wait_indirect_dma semaphore(%arg34 : memref<!tpu.dma_semaphore, #tpu.memory_space<semaphore_mem>>) src(%arg17 : memref<80x128xf32, #tpu.memory_space<vmem>>) dst(%dma_wait3A_152 : memref<10000x128xf32, #tpu.memory_space<vmem_shared>>)
        %add3A_153 = arith.constant 240 : i32
        %add3A_154 = arith.addi %add3A_61, %add3A_153 : i32
        %dma_start3A_155 = tpu.memref_slice %arg4[%add3A_154] : memref<320000xi32, #tpu.memory_space<hbm>> -> memref<80xi32, #tpu.memory_space<hbm>>
        %dma_start3A_156 = tpu.memref_slice %arg4[%add3A_154] : memref<320000xi32, #tpu.memory_space<hbm>> -> memref<80xi32, #tpu.memory_space<hbm>>
        tpu.enqueue_dma source(%dma_start3A_156 : memref<80xi32, #tpu.memory_space<hbm>>) target(%arg13 : memref<80xi32, #tpu.memory_space<vmem>>) target_semaphore(%arg26 : memref<!tpu.dma_semaphore, #tpu.memory_space<semaphore_mem>>)
      } else {
      }
      %dma_wait3A_94 = tpu.memref_slice %arg3[%mul3A_4] : memref<320000xi32, #tpu.memory_space<hbm>> -> memref<80xi32, #tpu.memory_space<hbm>>
      %dma_wait3A_95 = tpu.memref_slice %arg3[%mul3A_4] : memref<320000xi32, #tpu.memory_space<hbm>> -> memref<80xi32, #tpu.memory_space<hbm>>
      tpu.wait_dma2 semaphore(%arg22 : memref<!tpu.dma_semaphore, #tpu.memory_space<semaphore_mem>>) src(%dma_wait3A_95 : memref<80xi32, #tpu.memory_space<hbm>>) dst(%arg9 : memref<80xi32, #tpu.memory_space<vmem>>)
      %dma_start3A_96 = arith.constant 0 : i32
      %dma_start3A_97 = arith.constant 0 : i32
      %dma_start3A_98 = tpu.memref_slice %arg2[%dma_start3A_96, %dma_start3A_97] : memref<10000x128xf32, #tpu.memory_space<hbm>> -> memref<10000x128xf32, #tpu.memory_space<hbm>>
      tpu.enqueue_indirect_dma source(%dma_start3A_98 : memref<10000x128xf32, #tpu.memory_space<hbm>>) target(%arg17 : memref<80x128xf32, #tpu.memory_space<vmem>>) offsets(%arg9 : memref<80xi32, #tpu.memory_space<vmem>>) semaphore(%arg30 : memref<!tpu.dma_semaphore, #tpu.memory_space<semaphore_mem>>)
      %dma_wait3A_99 = arith.constant 0 : i32
      %dma_wait3A_100 = arith.constant 0 : i32
      %dma_wait3A_101 = tpu.memref_slice %arg2[%dma_wait3A_99, %dma_wait3A_100] : memref<10000x128xf32, #tpu.memory_space<hbm>> -> memref<10000x128xf32, #tpu.memory_space<hbm>>
      tpu.wait_indirect_dma semaphore(%arg27 : memref<!tpu.dma_semaphore, #tpu.memory_space<semaphore_mem>>) src(%dma_wait3A_101 : memref<10000x128xf32, #tpu.memory_space<hbm>>) dst(%arg14 : memref<80x128xf32, #tpu.memory_space<vmem>>)
      %dma_wait3A_102 = tpu.memref_slice %arg4[%mul3A_4] : memref<320000xi32, #tpu.memory_space<hbm>> -> memref<80xi32, #tpu.memory_space<hbm>>
      %dma_wait3A_103 = tpu.memref_slice %arg4[%mul3A_4] : memref<320000xi32, #tpu.memory_space<hbm>> -> memref<80xi32, #tpu.memory_space<hbm>>
      tpu.wait_dma2 semaphore(%arg23 : memref<!tpu.dma_semaphore, #tpu.memory_space<semaphore_mem>>) src(%dma_wait3A_103 : memref<80xi32, #tpu.memory_space<hbm>>) dst(%arg10 : memref<80xi32, #tpu.memory_space<vmem>>)
      %dma_start3A_104 = arith.constant 0 : i32
      %dma_start3A_105 = arith.constant 0 : i32
      %dma_start3A_106 = tpu.memref_slice %arg18[%dma_start3A_104, %dma_start3A_105] : memref<10000x128xf32, #tpu.memory_space<vmem_shared>> -> memref<10000x128xf32, #tpu.memory_space<vmem_shared>>
      tpu.enqueue_indirect_dma source(%arg14 : memref<80x128xf32, #tpu.memory_space<vmem>>) target(%dma_start3A_106 : memref<10000x128xf32, #tpu.memory_space<vmem_shared>>) offsets(%arg10 : memref<80xi32, #tpu.memory_space<vmem>>) semaphore(%arg31 : memref<!tpu.dma_semaphore, #tpu.memory_space<semaphore_mem>>) {add = true}
      %lt3A = arith.constant 30 : i32
      %lt3A_107 = arith.cmpi slt, %scan3A_56, %lt3A : i32
      %convert_element_type3A_108 = arith.extui %lt3A_107 : i1 to i32
      %cond3A_109 = arith.constant 0 : i32
      %cond3A_110 = arith.cmpi ne, %convert_element_type3A_108, %cond3A_109 : i32
      scf.if %cond3A_110 {
        %add3A_150 = arith.constant 320 : i32
        %add3A_151 = arith.addi %add3A_61, %add3A_150 : i32
        %add3A_152 = arith.constant 0 : i32
        %add3A_153 = arith.addi %add3A_151, %add3A_152 : i32
        %dma_start3A_154 = tpu.memref_slice %arg3[%add3A_153] : memref<320000xi32, #tpu.memory_space<hbm>> -> memref<80xi32, #tpu.memory_space<hbm>>
        %dma_start3A_155 = tpu.memref_slice %arg3[%add3A_153] : memref<320000xi32, #tpu.memory_space<hbm>> -> memref<80xi32, #tpu.memory_space<hbm>>
        tpu.enqueue_dma source(%dma_start3A_155 : memref<80xi32, #tpu.memory_space<hbm>>) target(%arg6 : memref<80xi32, #tpu.memory_space<vmem>>) target_semaphore(%arg19 : memref<!tpu.dma_semaphore, #tpu.memory_space<semaphore_mem>>)
      } else {
      }
      %dma_wait3A_111 = arith.constant 0 : i32
      %dma_wait3A_112 = arith.constant 0 : i32
      %dma_wait3A_113 = tpu.memref_slice %arg2[%dma_wait3A_111, %dma_wait3A_112] : memref<10000x128xf32, #tpu.memory_space<hbm>> -> memref<10000x128xf32, #tpu.memory_space<hbm>>
      tpu.wait_indirect_dma semaphore(%arg28 : memref<!tpu.dma_semaphore, #tpu.memory_space<semaphore_mem>>) src(%dma_wait3A_113 : memref<10000x128xf32, #tpu.memory_space<hbm>>) dst(%arg15 : memref<80x128xf32, #tpu.memory_space<vmem>>)
      %dma_wait3A_114 = tpu.memref_slice %arg4[%mul3A_4] : memref<320000xi32, #tpu.memory_space<hbm>> -> memref<80xi32, #tpu.memory_space<hbm>>
      %dma_wait3A_115 = tpu.memref_slice %arg4[%mul3A_4] : memref<320000xi32, #tpu.memory_space<hbm>> -> memref<80xi32, #tpu.memory_space<hbm>>
      tpu.wait_dma2 semaphore(%arg24 : memref<!tpu.dma_semaphore, #tpu.memory_space<semaphore_mem>>) src(%dma_wait3A_115 : memref<80xi32, #tpu.memory_space<hbm>>) dst(%arg11 : memref<80xi32, #tpu.memory_space<vmem>>)
      %dma_start3A_116 = arith.constant 0 : i32
      %dma_start3A_117 = arith.constant 0 : i32
      %dma_start3A_118 = tpu.memref_slice %arg18[%dma_start3A_116, %dma_start3A_117] : memref<10000x128xf32, #tpu.memory_space<vmem_shared>> -> memref<10000x128xf32, #tpu.memory_space<vmem_shared>>
      tpu.enqueue_indirect_dma source(%arg15 : memref<80x128xf32, #tpu.memory_space<vmem>>) target(%dma_start3A_118 : memref<10000x128xf32, #tpu.memory_space<vmem_shared>>) offsets(%arg11 : memref<80xi32, #tpu.memory_space<vmem>>) semaphore(%arg32 : memref<!tpu.dma_semaphore, #tpu.memory_space<semaphore_mem>>) {add = true}
      %lt3A_119 = arith.constant 30 : i32
      %lt3A_120 = arith.cmpi slt, %scan3A_56, %lt3A_119 : i32
      %convert_element_type3A_121 = arith.extui %lt3A_120 : i1 to i32
      %cond3A_122 = arith.constant 0 : i32
      %cond3A_123 = arith.cmpi ne, %convert_element_type3A_121, %cond3A_122 : i32
      scf.if %cond3A_123 {
        %add3A_150 = arith.constant 320 : i32
        %add3A_151 = arith.addi %add3A_61, %add3A_150 : i32
        %add3A_152 = arith.constant 80 : i32
        %add3A_153 = arith.addi %add3A_151, %add3A_152 : i32
        %dma_start3A_154 = tpu.memref_slice %arg3[%add3A_153] : memref<320000xi32, #tpu.memory_space<hbm>> -> memref<80xi32, #tpu.memory_space<hbm>>
        %dma_start3A_155 = tpu.memref_slice %arg3[%add3A_153] : memref<320000xi32, #tpu.memory_space<hbm>> -> memref<80xi32, #tpu.memory_space<hbm>>
        tpu.enqueue_dma source(%dma_start3A_155 : memref<80xi32, #tpu.memory_space<hbm>>) target(%arg7 : memref<80xi32, #tpu.memory_space<vmem>>) target_semaphore(%arg20 : memref<!tpu.dma_semaphore, #tpu.memory_space<semaphore_mem>>)
      } else {
      }
      %dma_wait3A_124 = arith.constant 0 : i32
      %dma_wait3A_125 = arith.constant 0 : i32
      %dma_wait3A_126 = tpu.memref_slice %arg2[%dma_wait3A_124, %dma_wait3A_125] : memref<10000x128xf32, #tpu.memory_space<hbm>> -> memref<10000x128xf32, #tpu.memory_space<hbm>>
      tpu.wait_indirect_dma semaphore(%arg29 : memref<!tpu.dma_semaphore, #tpu.memory_space<semaphore_mem>>) src(%dma_wait3A_126 : memref<10000x128xf32, #tpu.memory_space<hbm>>) dst(%arg16 : memref<80x128xf32, #tpu.memory_space<vmem>>)
      %dma_wait3A_127 = tpu.memref_slice %arg4[%mul3A_4] : memref<320000xi32, #tpu.memory_space<hbm>> -> memref<80xi32, #tpu.memory_space<hbm>>
      %dma_wait3A_128 = tpu.memref_slice %arg4[%mul3A_4] : memref<320000xi32, #tpu.memory_space<hbm>> -> memref<80xi32, #tpu.memory_space<hbm>>
      tpu.wait_dma2 semaphore(%arg25 : memref<!tpu.dma_semaphore, #tpu.memory_space<semaphore_mem>>) src(%dma_wait3A_128 : memref<80xi32, #tpu.memory_space<hbm>>) dst(%arg12 : memref<80xi32, #tpu.memory_space<vmem>>)
      %dma_start3A_129 = arith.constant 0 : i32
      %dma_start3A_130 = arith.constant 0 : i32
      %dma_start3A_131 = tpu.memref_slice %arg18[%dma_start3A_129, %dma_start3A_130] : memref<10000x128xf32, #tpu.memory_space<vmem_shared>> -> memref<10000x128xf32, #tpu.memory_space<vmem_shared>>
      tpu.enqueue_indirect_dma source(%arg16 : memref<80x128xf32, #tpu.memory_space<vmem>>) target(%dma_start3A_131 : memref<10000x128xf32, #tpu.memory_space<vmem_shared>>) offsets(%arg12 : memref<80xi32, #tpu.memory_space<vmem>>) semaphore(%arg33 : memref<!tpu.dma_semaphore, #tpu.memory_space<semaphore_mem>>) {add = true}
      %lt3A_132 = arith.constant 30 : i32
      %lt3A_133 = arith.cmpi slt, %scan3A_56, %lt3A_132 : i32
      %convert_element_type3A_134 = arith.extui %lt3A_133 : i1 to i32
      %cond3A_135 = arith.constant 0 : i32
      %cond3A_136 = arith.cmpi ne, %convert_element_type3A_134, %cond3A_135 : i32
      scf.if %cond3A_136 {
        %add3A_150 = arith.constant 320 : i32
        %add3A_151 = arith.addi %add3A_61, %add3A_150 : i32
        %add3A_152 = arith.constant 160 : i32
        %add3A_153 = arith.addi %add3A_151, %add3A_152 : i32
        %dma_start3A_154 = tpu.memref_slice %arg3[%add3A_153] : memref<320000xi32, #tpu.memory_space<hbm>> -> memref<80xi32, #tpu.memory_space<hbm>>
        %dma_start3A_155 = tpu.memref_slice %arg3[%add3A_153] : memref<320000xi32, #tpu.memory_space<hbm>> -> memref<80xi32, #tpu.memory_space<hbm>>
        tpu.enqueue_dma source(%dma_start3A_155 : memref<80xi32, #tpu.memory_space<hbm>>) target(%arg8 : memref<80xi32, #tpu.memory_space<vmem>>) target_semaphore(%arg21 : memref<!tpu.dma_semaphore, #tpu.memory_space<semaphore_mem>>)
      } else {
      }
      %dma_wait3A_137 = arith.constant 0 : i32
      %dma_wait3A_138 = arith.constant 0 : i32
      %dma_wait3A_139 = tpu.memref_slice %arg2[%dma_wait3A_137, %dma_wait3A_138] : memref<10000x128xf32, #tpu.memory_space<hbm>> -> memref<10000x128xf32, #tpu.memory_space<hbm>>
      tpu.wait_indirect_dma semaphore(%arg30 : memref<!tpu.dma_semaphore, #tpu.memory_space<semaphore_mem>>) src(%dma_wait3A_139 : memref<10000x128xf32, #tpu.memory_space<hbm>>) dst(%arg17 : memref<80x128xf32, #tpu.memory_space<vmem>>)
      %dma_wait3A_140 = tpu.memref_slice %arg4[%mul3A_4] : memref<320000xi32, #tpu.memory_space<hbm>> -> memref<80xi32, #tpu.memory_space<hbm>>
      %dma_wait3A_141 = tpu.memref_slice %arg4[%mul3A_4] : memref<320000xi32, #tpu.memory_space<hbm>> -> memref<80xi32, #tpu.memory_space<hbm>>
      tpu.wait_dma2 semaphore(%arg26 : memref<!tpu.dma_semaphore, #tpu.memory_space<semaphore_mem>>) src(%dma_wait3A_141 : memref<80xi32, #tpu.memory_space<hbm>>) dst(%arg13 : memref<80xi32, #tpu.memory_space<vmem>>)
      %dma_start3A_142 = arith.constant 0 : i32
      %dma_start3A_143 = arith.constant 0 : i32
      %dma_start3A_144 = tpu.memref_slice %arg18[%dma_start3A_142, %dma_start3A_143] : memref<10000x128xf32, #tpu.memory_space<vmem_shared>> -> memref<10000x128xf32, #tpu.memory_space<vmem_shared>>
      tpu.enqueue_indirect_dma source(%arg17 : memref<80x128xf32, #tpu.memory_space<vmem>>) target(%dma_start3A_144 : memref<10000x128xf32, #tpu.memory_space<vmem_shared>>) offsets(%arg13 : memref<80xi32, #tpu.memory_space<vmem>>) semaphore(%arg34 : memref<!tpu.dma_semaphore, #tpu.memory_space<semaphore_mem>>) {add = true}
      %lt3A_145 = arith.constant 30 : i32
      %lt3A_146 = arith.cmpi slt, %scan3A_56, %lt3A_145 : i32
      %convert_element_type3A_147 = arith.extui %lt3A_146 : i1 to i32
      %cond3A_148 = arith.constant 0 : i32
      %cond3A_149 = arith.cmpi ne, %convert_element_type3A_147, %cond3A_148 : i32
      scf.if %cond3A_149 {
        %add3A_150 = arith.constant 320 : i32
        %add3A_151 = arith.addi %add3A_61, %add3A_150 : i32
        %add3A_152 = arith.constant 240 : i32
        %add3A_153 = arith.addi %add3A_151, %add3A_152 : i32
        %dma_start3A_154 = tpu.memref_slice %arg3[%add3A_153] : memref<320000xi32, #tpu.memory_space<hbm>> -> memref<80xi32, #tpu.memory_space<hbm>>
        %dma_start3A_155 = tpu.memref_slice %arg3[%add3A_153] : memref<320000xi32, #tpu.memory_space<hbm>> -> memref<80xi32, #tpu.memory_space<hbm>>
        tpu.enqueue_dma source(%dma_start3A_155 : memref<80xi32, #tpu.memory_space<hbm>>) target(%arg9 : memref<80xi32, #tpu.memory_space<vmem>>) target_semaphore(%arg22 : memref<!tpu.dma_semaphore, #tpu.memory_space<semaphore_mem>>)
      } else {
      }
    }
    %scan3A_32 = arith.constant 31 : i32
    %dma_wait3A = arith.constant 0 : i32
    %dma_wait3A_33 = arith.constant 0 : i32
    %dma_wait3A_34 = tpu.memref_slice %arg18[%dma_wait3A, %dma_wait3A_33] : memref<10000x128xf32, #tpu.memory_space<vmem_shared>> -> memref<10000x128xf32, #tpu.memory_space<vmem_shared>>
    tpu.wait_indirect_dma semaphore(%arg31 : memref<!tpu.dma_semaphore, #tpu.memory_space<semaphore_mem>>) src(%arg14 : memref<80x128xf32, #tpu.memory_space<vmem>>) dst(%dma_wait3A_34 : memref<10000x128xf32, #tpu.memory_space<vmem_shared>>)
    %dma_wait3A_35 = arith.constant 0 : i32
    %dma_wait3A_36 = arith.constant 0 : i32
    %dma_wait3A_37 = tpu.memref_slice %arg18[%dma_wait3A_35, %dma_wait3A_36] : memref<10000x128xf32, #tpu.memory_space<vmem_shared>> -> memref<10000x128xf32, #tpu.memory_space<vmem_shared>>
    tpu.wait_indirect_dma semaphore(%arg32 : memref<!tpu.dma_semaphore, #tpu.memory_space<semaphore_mem>>) src(%arg15 : memref<80x128xf32, #tpu.memory_space<vmem>>) dst(%dma_wait3A_37 : memref<10000x128xf32, #tpu.memory_space<vmem_shared>>)
    %dma_wait3A_38 = arith.constant 0 : i32
    %dma_wait3A_39 = arith.constant 0 : i32
    %dma_wait3A_40 = tpu.memref_slice %arg18[%dma_wait3A_38, %dma_wait3A_39] : memref<10000x128xf32, #tpu.memory_space<vmem_shared>> -> memref<10000x128xf32, #tpu.memory_space<vmem_shared>>
    tpu.wait_indirect_dma semaphore(%arg33 : memref<!tpu.dma_semaphore, #tpu.memory_space<semaphore_mem>>) src(%arg16 : memref<80x128xf32, #tpu.memory_space<vmem>>) dst(%dma_wait3A_40 : memref<10000x128xf32, #tpu.memory_space<vmem_shared>>)
    %dma_wait3A_41 = arith.constant 0 : i32
    %dma_wait3A_42 = arith.constant 0 : i32
    %dma_wait3A_43 = tpu.memref_slice %arg18[%dma_wait3A_41, %dma_wait3A_42] : memref<10000x128xf32, #tpu.memory_space<vmem_shared>> -> memref<10000x128xf32, #tpu.memory_space<vmem_shared>>
    tpu.wait_indirect_dma semaphore(%arg34 : memref<!tpu.dma_semaphore, #tpu.memory_space<semaphore_mem>>) src(%arg17 : memref<80x128xf32, #tpu.memory_space<vmem>>) dst(%dma_wait3A_43 : memref<10000x128xf32, #tpu.memory_space<vmem_shared>>)
    %add3A_44 = arith.constant 9920 : i32
    %add3A_45 = arith.addi %mul3A_4, %add3A_44 : i32
    "tpu.region"() ({
      %run_scoped3A = tpu.sem_alloc : memref<!tpu.dma_semaphore, #tpu.memory_space<semaphore_mem>>
      %dma_start3A_56 = tpu.memref_slice %arg3[%add3A_45] : memref<320000xi32, #tpu.memory_space<hbm>> -> memref<80xi32, #tpu.memory_space<hbm>>
      %dma_start3A_57 = tpu.memref_slice %arg3[%add3A_45] : memref<320000xi32, #tpu.memory_space<hbm>> -> memref<80xi32, #tpu.memory_space<hbm>>
      tpu.enqueue_dma source(%dma_start3A_57 : memref<80xi32, #tpu.memory_space<hbm>>) target(%arg6 : memref<80xi32, #tpu.memory_space<vmem>>) target_semaphore(%run_scoped3A : memref<!tpu.dma_semaphore, #tpu.memory_space<semaphore_mem>>)
      %dma_wait3A_58 = tpu.memref_slice %arg3[%add3A_45] : memref<320000xi32, #tpu.memory_space<hbm>> -> memref<80xi32, #tpu.memory_space<hbm>>
      %dma_wait3A_59 = tpu.memref_slice %arg3[%add3A_45] : memref<320000xi32, #tpu.memory_space<hbm>> -> memref<80xi32, #tpu.memory_space<hbm>>
      tpu.wait_dma2 semaphore(%run_scoped3A : memref<!tpu.dma_semaphore, #tpu.memory_space<semaphore_mem>>) src(%dma_wait3A_59 : memref<80xi32, #tpu.memory_space<hbm>>) dst(%arg6 : memref<80xi32, #tpu.memory_space<vmem>>)
      tpu.yield
    }) : () -> ()
    "tpu.region"() ({
      %run_scoped3A = tpu.sem_alloc : memref<!tpu.dma_semaphore, #tpu.memory_space<semaphore_mem>>
      %dma_start3A_56 = tpu.memref_slice %arg4[%add3A_45] : memref<320000xi32, #tpu.memory_space<hbm>> -> memref<80xi32, #tpu.memory_space<hbm>>
      %dma_start3A_57 = tpu.memref_slice %arg4[%add3A_45] : memref<320000xi32, #tpu.memory_space<hbm>> -> memref<80xi32, #tpu.memory_space<hbm>>
      tpu.enqueue_dma source(%dma_start3A_57 : memref<80xi32, #tpu.memory_space<hbm>>) target(%arg10 : memref<80xi32, #tpu.memory_space<vmem>>) target_semaphore(%run_scoped3A : memref<!tpu.dma_semaphore, #tpu.memory_space<semaphore_mem>>)
      %dma_wait3A_58 = tpu.memref_slice %arg4[%add3A_45] : memref<320000xi32, #tpu.memory_space<hbm>> -> memref<80xi32, #tpu.memory_space<hbm>>
      %dma_wait3A_59 = tpu.memref_slice %arg4[%add3A_45] : memref<320000xi32, #tpu.memory_space<hbm>> -> memref<80xi32, #tpu.memory_space<hbm>>
      tpu.wait_dma2 semaphore(%run_scoped3A : memref<!tpu.dma_semaphore, #tpu.memory_space<semaphore_mem>>) src(%dma_wait3A_59 : memref<80xi32, #tpu.memory_space<hbm>>) dst(%arg10 : memref<80xi32, #tpu.memory_space<vmem>>)
      tpu.yield
    }) : () -> ()
    %dma_start3A_46 = arith.constant 0 : i32
    %dma_start3A_47 = arith.constant 0 : i32
    %dma_start3A_48 = tpu.memref_slice %arg2[%dma_start3A_46, %dma_start3A_47] : memref<10000x128xf32, #tpu.memory_space<hbm>> -> memref<10000x128xf32, #tpu.memory_space<hbm>>
    tpu.enqueue_indirect_dma source(%dma_start3A_48 : memref<10000x128xf32, #tpu.memory_space<hbm>>) target(%arg14 : memref<80x128xf32, #tpu.memory_space<vmem>>) offsets(%arg6 : memref<80xi32, #tpu.memory_space<vmem>>) semaphore(%arg27 : memref<!tpu.dma_semaphore, #tpu.memory_space<semaphore_mem>>)
    %dma_wait3A_49 = arith.constant 0 : i32
    %dma_wait3A_50 = arith.constant 0 : i32
    %dma_wait3A_51 = tpu.memref_slice %arg2[%dma_wait3A_49, %dma_wait3A_50] : memref<10000x128xf32, #tpu.memory_space<hbm>> -> memref<10000x128xf32, #tpu.memory_space<hbm>>
    tpu.wait_indirect_dma semaphore(%arg27 : memref<!tpu.dma_semaphore, #tpu.memory_space<semaphore_mem>>) src(%dma_wait3A_51 : memref<10000x128xf32, #tpu.memory_space<hbm>>) dst(%arg14 : memref<80x128xf32, #tpu.memory_space<vmem>>)
    "tpu.region"() ({
      %run_scoped3A = tpu.sem_alloc : memref<!tpu.dma_semaphore, #tpu.memory_space<semaphore_mem>>
      %dma_start3A_56 = arith.constant 0 : i32
      %dma_start3A_57 = arith.constant 0 : i32
      %dma_start3A_58 = tpu.memref_slice %arg18[%dma_start3A_56, %dma_start3A_57] : memref<10000x128xf32, #tpu.memory_space<vmem_shared>> -> memref<10000x128xf32, #tpu.memory_space<vmem_shared>>
      tpu.enqueue_indirect_dma source(%arg14 : memref<80x128xf32, #tpu.memory_space<vmem>>) target(%dma_start3A_58 : memref<10000x128xf32, #tpu.memory_space<vmem_shared>>) offsets(%arg10 : memref<80xi32, #tpu.memory_space<vmem>>) semaphore(%run_scoped3A : memref<!tpu.dma_semaphore, #tpu.memory_space<semaphore_mem>>) {add = true}
      %dma_wait3A_59 = arith.constant 0 : i32
      %dma_wait3A_60 = arith.constant 0 : i32
      %dma_wait3A_61 = tpu.memref_slice %arg18[%dma_wait3A_59, %dma_wait3A_60] : memref<10000x128xf32, #tpu.memory_space<vmem_shared>> -> memref<10000x128xf32, #tpu.memory_space<vmem_shared>>
      tpu.wait_indirect_dma semaphore(%run_scoped3A : memref<!tpu.dma_semaphore, #tpu.memory_space<semaphore_mem>>) src(%arg14 : memref<80x128xf32, #tpu.memory_space<vmem>>) dst(%dma_wait3A_61 : memref<10000x128xf32, #tpu.memory_space<vmem_shared>>)
      tpu.yield
    }) : () -> ()
    %barrier3A_52 = arith.constant 0 : index
    tpu.barrier barrier_id(%barrier3A_52)
    %mul3A_53 = arith.constant 10000 : i32
    %mul3A_54 = arith.muli %arg0, %mul3A_53 : i32
    %add3A_55 = arith.addi %mul3A_54, %mul3A_2 : i32
    "tpu.region"() ({
      %run_scoped3A = tpu.sem_alloc : memref<!tpu.dma_semaphore, #tpu.memory_space<semaphore_mem>>
      %dma_start3A_56 = arith.constant 0 : i32
      %dma_start3A_57 = tpu.memref_slice %arg5[%add3A_55, %dma_start3A_56] : memref<20000x128xf32, #tpu.memory_space<hbm>> -> memref<640x128xf32, #tpu.memory_space<hbm>>
      %dma_start3A_58 = arith.constant 0 : i32
      %dma_start3A_59 = tpu.memref_slice %arg18[%mul3A_2, %dma_start3A_58] : memref<10000x128xf32, #tpu.memory_space<vmem_shared>> -> memref<640x128xf32, #tpu.memory_space<vmem_shared>>
      tpu.enqueue_dma source(%dma_start3A_59 : memref<640x128xf32, #tpu.memory_space<vmem_shared>>) target(%dma_start3A_57 : memref<640x128xf32, #tpu.memory_space<hbm>>) target_semaphore(%run_scoped3A : memref<!tpu.dma_semaphore, #tpu.memory_space<semaphore_mem>>)
      %dma_wait3A_60 = arith.constant 0 : i32
      %dma_wait3A_61 = tpu.memref_slice %arg5[%add3A_55, %dma_wait3A_60] : memref<20000x128xf32, #tpu.memory_space<hbm>> -> memref<640x128xf32, #tpu.memory_space<hbm>>
      %dma_wait3A_62 = arith.constant 0 : i32
      %dma_wait3A_63 = tpu.memref_slice %arg18[%mul3A_2, %dma_wait3A_62] : memref<10000x128xf32, #tpu.memory_space<vmem_shared>> -> memref<640x128xf32, #tpu.memory_space<vmem_shared>>
      tpu.wait_dma2 semaphore(%run_scoped3A : memref<!tpu.dma_semaphore, #tpu.memory_space<semaphore_mem>>) src(%dma_wait3A_63 : memref<640x128xf32, #tpu.memory_space<vmem_shared>>) dst(%dma_wait3A_61 : memref<640x128xf32, #tpu.memory_space<hbm>>)
      tpu.yield
    }) : () -> ()
    return
  }
}

module attributes {stable_mosaic.version = 14 : i64} {
  func.func @_hist_body(%arg0: i32, %arg1: memref<2x16000xi32, #tpu.memory_space<vmem>>, %arg2: memref<80x128xf32, #tpu.memory_space<vmem>>) attributes {dimension_semantics = [#tpu.dimension_semantics<arbitrary>], iteration_bounds = array<i64: 20>, scalar_prefetch = 0 : i64, scratch_operands = 0 : i64, tpu.core_type = #tpu.core_type<tc>, window_params = [{transform_indices = @transform_0, window_bounds = array<i64: 2, 16000>}, {pipeline_mode = #tpu.pipeline_mode<synchronous>, transform_indices = @transform_1, window_bounds = array<i64: 80, 128>}]} {
    %eq3A = arith.constant 0 : i32
    %eq3A_0 = arith.cmpi eq, %arg0, %eq3A : i32
    %convert_element_type3A = arith.extui %eq3A_0 : i1 to i32
    %cond3A = arith.constant 0 : i32
    %cond3A_1 = arith.cmpi ne, %convert_element_type3A, %cond3A : i32
    scf.if %cond3A_1 {
      %broadcast_in_dim3A = arith.constant 0.000000e+00 : f32
      %broadcast_in_dim3A_23 = vector.broadcast %broadcast_in_dim3A : f32 to vector<80x128xf32>
      %swap3A_24 = arith.constant 0 : index
      %swap3A_25 = arith.constant 0 : index
      %swap3A_26 = vector.load %arg2[%swap3A_24, %swap3A_25] : memref<80x128xf32, #tpu.memory_space<vmem>>, vector<80x128xf32>
      tpu.vector_store %arg2[%swap3A_24, %swap3A_25], %broadcast_in_dim3A_23 {strides = array<i32>} : memref<80x128xf32, #tpu.memory_space<vmem>>, vector<80x128xf32>,
    } else {
    }
    %get3A = arith.constant 1 : index
    %get3A_2 = arith.constant 0 : index
    %get3A_3 = vector.load %arg1[%get3A, %get3A_2] : memref<2x16000xi32, #tpu.memory_space<vmem>>, vector<1x16000xi32>
    %iota3A = tpu.iota {dimensions = array<i32: 0>} : vector<80x16000xi32>
    %shift_right_arithmetic3A = arith.constant 7 : i32
    %shift_right_arithmetic3A_4 = vector.broadcast %shift_right_arithmetic3A : i32 to vector<1x16000xi32>
    %shift_right_arithmetic3A_5 = arith.shrsi %get3A_3, %shift_right_arithmetic3A_4 : vector<1x16000xi32>
    %eq3A_6 = vector.broadcast %shift_right_arithmetic3A_5 : vector<1x16000xi32> to vector<80x16000xi32>
    %eq3A_7 = arith.cmpi eq, %iota3A, %eq3A_6 : vector<80x16000xi32>
    %convert_element_type3A_8 = arith.extui %eq3A_7 : vector<80x16000xi1> to vector<80x16000xi32>
    %convert_element_type3A_9 = arith.sitofp %convert_element_type3A_8 : vector<80x16000xi32> to vector<80x16000xf32>
    %iota3A_10 = tpu.iota {dimensions = array<i32: 0>} : vector<128x16000xi32>
    %and3A = arith.constant 127 : i32
    %and3A_11 = vector.broadcast %and3A : i32 to vector<1x16000xi32>
    %and3A_12 = arith.andi %get3A_3, %and3A_11 : vector<1x16000xi32>
    %eq3A_13 = vector.broadcast %and3A_12 : vector<1x16000xi32> to vector<128x16000xi32>
    %eq3A_14 = arith.cmpi eq, %iota3A_10, %eq3A_13 : vector<128x16000xi32>
    %convert_element_type3A_15 = arith.extui %eq3A_14 : vector<128x16000xi1> to vector<128x16000xi32>
    %convert_element_type3A_16 = arith.sitofp %convert_element_type3A_15 : vector<128x16000xi32> to vector<128x16000xf32>
    %get3A_17 = arith.constant 0 : index
    %get3A_18 = arith.constant 0 : index
    %get3A_19 = vector.load %arg2[%get3A_17, %get3A_18] : memref<80x128xf32, #tpu.memory_space<vmem>>, vector<80x128xf32>
    %dot_general3A = arith.constant dense<0.000000e+00> : vector<80x128xf32>
    %dot_general3A_20 = tpu.matmul %convert_element_type3A_9, %convert_element_type3A_16, %dot_general3A {dimension_numbers = #tpu.dot_dimension_numbers<[1], [1], [0], [0], [0, 0, 1, 0], [], []>, transpose_lhs_hint = false} : vector<80x16000xf32>, vector<128x16000xf32>, vector<80x128xf32> -> vector<80x128xf32>
    %add3A = arith.addf %get3A_19, %dot_general3A_20 : vector<80x128xf32>
    %swap3A = arith.constant 0 : index
    %swap3A_21 = arith.constant 0 : index
    %swap3A_22 = vector.load %arg2[%swap3A, %swap3A_21] : memref<80x128xf32, #tpu.memory_space<vmem>>, vector<80x128xf32>
    tpu.vector_store %arg2[%swap3A, %swap3A_21], %add3A {strides = array<i32>} : memref<80x128xf32, #tpu.memory_space<vmem>>, vector<80x128xf32>,
    return
  }
  func.func @transform_0(%arg0: i32) -> (i32, i32) {
    %c0_i32 = arith.constant 0 : i32
    %c0_i32_0 = arith.constant 0 : i32
    return %c0_i32, %arg0 : i32, i32
  }
  func.func @transform_1(%arg0: i32) -> (i32, i32) {
    %c0_i32 = arith.constant 0 : i32
    %c0_i32_0 = arith.constant 0 : i32
    %c0_i32_1 = arith.constant 0 : i32
    return %c0_i32, %c0_i32_0 : i32, i32
  }
}

module attributes {stable_mosaic.version = 14 : i64} {
  func.func @_mm_scale_body(%arg0: i32, %arg1: memref<1000x128xf32, #tpu.memory_space<vmem>>, %arg2: memref<128x128xf32, #tpu.memory_space<vmem>>, %arg3: memref<1000x1xf32, #tpu.memory_space<vmem>>, %arg4: memref<1000x128xf32, #tpu.memory_space<vmem>>) attributes {dimension_semantics = [#tpu.dimension_semantics<arbitrary>], iteration_bounds = array<i64: 10>, scalar_prefetch = 0 : i64, scratch_operands = 0 : i64, tpu.core_type = #tpu.core_type<tc>, window_params = [{transform_indices = @transform_0, window_bounds = array<i64: 1000, 128>}, {pipeline_mode = #tpu.pipeline_mode<synchronous>, transform_indices = @transform_1, window_bounds = array<i64: 128, 128>}, {transform_indices = @transform_2, window_bounds = array<i64: 1000, 1>}, {transform_indices = @transform_3, window_bounds = array<i64: 1000, 128>}]} {
    %get3A = arith.constant 0 : index
    %get3A_0 = arith.constant 0 : index
    %get3A_1 = vector.load %arg3[%get3A, %get3A_0] : memref<1000x1xf32, #tpu.memory_space<vmem>>, vector<1000x1xf32>
    %add3A = arith.constant 1.000000e+00 : f32
    %add3A_2 = vector.broadcast %add3A : f32 to vector<1000x1xf32>
    %add3A_3 = arith.addf %get3A_1, %add3A_2 : vector<1000x1xf32>
    %rsqrt3A = math.rsqrt %add3A_3 : vector<1000x1xf32>
    %get3A_4 = arith.constant 0 : index
    %get3A_5 = arith.constant 0 : index
    %get3A_6 = vector.load %arg1[%get3A_4, %get3A_5] : memref<1000x128xf32, #tpu.memory_space<vmem>>, vector<1000x128xf32>
    %get3A_7 = arith.constant 0 : index
    %get3A_8 = arith.constant 0 : index
    %get3A_9 = vector.load %arg2[%get3A_7, %get3A_8] : memref<128x128xf32, #tpu.memory_space<vmem>>, vector<128x128xf32>
    %dot_general3A = arith.constant dense<0.000000e+00> : vector<1000x128xf32>
    %dot_general3A_10 = tpu.matmul %get3A_6, %get3A_9, %dot_general3A {dimension_numbers = #tpu.dot_dimension_numbers<[1], [0], [0], [1], [0, 0, 1, 1], [], []>, transpose_lhs_hint = false} : vector<1000x128xf32>, vector<128x128xf32>, vector<1000x128xf32> -> vector<1000x128xf32>
    %mul3A = vector.broadcast %rsqrt3A : vector<1000x1xf32> to vector<1000x128xf32>
    %mul3A_11 = arith.mulf %dot_general3A_10, %mul3A : vector<1000x128xf32>
    %swap3A = arith.constant 0 : index
    %swap3A_12 = arith.constant 0 : index
    %swap3A_13 = vector.load %arg4[%swap3A, %swap3A_12] : memref<1000x128xf32, #tpu.memory_space<vmem>>, vector<1000x128xf32>
    tpu.vector_store %arg4[%swap3A, %swap3A_12], %mul3A_11 {strides = array<i32>} : memref<1000x128xf32, #tpu.memory_space<vmem>>, vector<1000x128xf32>,
    return
  }
  func.func @transform_0(%arg0: i32) -> (i32, i32) {
    %c0_i32 = arith.constant 0 : i32
    %c0_i32_0 = arith.constant 0 : i32
    return %arg0, %c0_i32 : i32, i32
  }
  func.func @transform_1(%arg0: i32) -> (i32, i32) {
    %c0_i32 = arith.constant 0 : i32
    %c0_i32_0 = arith.constant 0 : i32
    %c0_i32_1 = arith.constant 0 : i32
    return %c0_i32, %c0_i32_0 : i32, i32
  }
  func.func @transform_2(%arg0: i32) -> (i32, i32) {
    %c0_i32 = arith.constant 0 : i32
    %c0_i32_0 = arith.constant 0 : i32
    return %arg0, %c0_i32 : i32, i32
  }
  func.func @transform_3(%arg0: i32) -> (i32, i32) {
    %c0_i32 = arith.constant 0 : i32
    %c0_i32_0 = arith.constant 0 : i32
    return %arg0, %c0_i32 : i32, i32
  }
}

module attributes {stable_mosaic.version = 14 : i64} {
  func.func @_layer2_body(%arg0: i32, %arg1: memref<2x1000x128xf32, #tpu.memory_space<vmem>>, %arg2: memref<1000x128xf32, #tpu.memory_space<vmem>>, %arg3: memref<1000x1xf32, #tpu.memory_space<vmem>>, %arg4: memref<1x128xf32, #tpu.memory_space<vmem>>, %arg5: memref<1000x128xf32, #tpu.memory_space<vmem>>) attributes {dimension_semantics = [#tpu.dimension_semantics<arbitrary>], iteration_bounds = array<i64: 10>, scalar_prefetch = 0 : i64, scratch_operands = 0 : i64, tpu.core_type = #tpu.core_type<tc>, window_params = [{transform_indices = @transform_0, window_bounds = array<i64: 2, 1000, 128>}, {transform_indices = @transform_1, window_bounds = array<i64: 1000, 128>}, {transform_indices = @transform_2, window_bounds = array<i64: 1000, 1>}, {pipeline_mode = #tpu.pipeline_mode<synchronous>, transform_indices = @transform_3, window_bounds = array<i64: 1, 128>}, {transform_indices = @transform_4, window_bounds = array<i64: 1000, 128>}]} {
    %get3A = arith.constant 0 : index
    %get3A_0 = arith.constant 0 : index
    %get3A_1 = vector.load %arg3[%get3A, %get3A_0] : memref<1000x1xf32, #tpu.memory_space<vmem>>, vector<1000x1xf32>
    %add3A = arith.constant 1.000000e+00 : f32
    %add3A_2 = vector.broadcast %add3A : f32 to vector<1000x1xf32>
    %add3A_3 = arith.addf %get3A_1, %add3A_2 : vector<1000x1xf32>
    %rsqrt3A = math.rsqrt %add3A_3 : vector<1000x1xf32>
    %get3A_4 = arith.constant 0 : index
    %get3A_5 = arith.constant 0 : index
    %get3A_6 = arith.constant 0 : index
    %get3A_7 = vector.load %arg1[%get3A_4, %get3A_5, %get3A_6] : memref<2x1000x128xf32, #tpu.memory_space<vmem>>, vector<1x1000x128xf32>
    %get3A_8 = vector.shape_cast %get3A_7 : vector<1x1000x128xf32> to vector<1000x128xf32>
    %get3A_9 = arith.constant 1 : index
    %get3A_10 = arith.constant 0 : index
    %get3A_11 = arith.constant 0 : index
    %get3A_12 = vector.load %arg1[%get3A_9, %get3A_10, %get3A_11] : memref<2x1000x128xf32, #tpu.memory_space<vmem>>, vector<1x1000x128xf32>
    %get3A_13 = vector.shape_cast %get3A_12 : vector<1x1000x128xf32> to vector<1000x128xf32>
    %add3A_14 = arith.addf %get3A_8, %get3A_13 : vector<1000x128xf32>
    %get3A_15 = arith.constant 0 : index
    %get3A_16 = arith.constant 0 : index
    %get3A_17 = vector.load %arg2[%get3A_15, %get3A_16] : memref<1000x128xf32, #tpu.memory_space<vmem>>, vector<1000x128xf32>
    %sub3A = arith.subf %add3A_14, %get3A_17 : vector<1000x128xf32>
    %mul3A = vector.broadcast %rsqrt3A : vector<1000x1xf32> to vector<1000x128xf32>
    %mul3A_18 = arith.mulf %sub3A, %mul3A : vector<1000x128xf32>
    %get3A_19 = arith.constant 0 : index
    %get3A_20 = arith.constant 0 : index
    %get3A_21 = vector.load %arg4[%get3A_19, %get3A_20] : memref<1x128xf32, #tpu.memory_space<vmem>>, vector<1x128xf32>
    %add3A_22 = vector.broadcast %get3A_21 : vector<1x128xf32> to vector<1000x128xf32>
    %add3A_23 = arith.addf %mul3A_18, %add3A_22 : vector<1000x128xf32>
    %max3A = arith.constant 0.000000e+00 : f32
    %max3A_24 = vector.broadcast %max3A : f32 to vector<1000x128xf32>
    %max3A_25 = arith.maximumf %add3A_23, %max3A_24 : vector<1000x128xf32>
    %mul3A_26 = vector.broadcast %rsqrt3A : vector<1000x1xf32> to vector<1000x128xf32>
    %mul3A_27 = arith.mulf %max3A_25, %mul3A_26 : vector<1000x128xf32>
    %swap3A = arith.constant 0 : index
    %swap3A_28 = arith.constant 0 : index
    %swap3A_29 = vector.load %arg5[%swap3A, %swap3A_28] : memref<1000x128xf32, #tpu.memory_space<vmem>>, vector<1000x128xf32>
    tpu.vector_store %arg5[%swap3A, %swap3A_28], %mul3A_27 {strides = array<i32>} : memref<1000x128xf32, #tpu.memory_space<vmem>>, vector<1000x128xf32>,
    return
  }
  func.func @transform_0(%arg0: i32) -> (i32, i32, i32) {
    %c0_i32 = arith.constant 0 : i32
    %c0_i32_0 = arith.constant 0 : i32
    %c0_i32_1 = arith.constant 0 : i32
    return %c0_i32, %arg0, %c0_i32_0 : i32, i32, i32
  }
  func.func @transform_1(%arg0: i32) -> (i32, i32) {
    %c0_i32 = arith.constant 0 : i32
    %c0_i32_0 = arith.constant 0 : i32
    return %arg0, %c0_i32 : i32, i32
  }
  func.func @transform_2(%arg0: i32) -> (i32, i32) {
    %c0_i32 = arith.constant 0 : i32
    %c0_i32_0 = arith.constant 0 : i32
    return %arg0, %c0_i32 : i32, i32
  }
  func.func @transform_3(%arg0: i32) -> (i32, i32) {
    %c0_i32 = arith.constant 0 : i32
    %c0_i32_0 = arith.constant 0 : i32
    %c0_i32_1 = arith.constant 0 : i32
    return %c0_i32, %c0_i32_0 : i32, i32
  }
  func.func @transform_4(%arg0: i32) -> (i32, i32) {
    %c0_i32 = arith.constant 0 : i32
    %c0_i32_0 = arith.constant 0 : i32
    return %arg0, %c0_i32 : i32, i32
  }
}

module attributes {stable_mosaic.version = 14 : i64} {
  func.func @_final_body(%arg0: i32, %arg1: memref<2x1000x128xf32, #tpu.memory_space<vmem>>, %arg2: memref<1000x128xf32, #tpu.memory_space<vmem>>, %arg3: memref<1000x1xf32, #tpu.memory_space<vmem>>, %arg4: memref<128x64xf32, #tpu.memory_space<vmem>>, %arg5: memref<1x64xf32, #tpu.memory_space<vmem>>, %arg6: memref<1000x64xf32, #tpu.memory_space<vmem>>) attributes {dimension_semantics = [#tpu.dimension_semantics<arbitrary>], iteration_bounds = array<i64: 10>, scalar_prefetch = 0 : i64, scratch_operands = 0 : i64, tpu.core_type = #tpu.core_type<tc>, window_params = [{transform_indices = @transform_0, window_bounds = array<i64: 2, 1000, 128>}, {transform_indices = @transform_1, window_bounds = array<i64: 1000, 128>}, {transform_indices = @transform_2, window_bounds = array<i64: 1000, 1>}, {pipeline_mode = #tpu.pipeline_mode<synchronous>, transform_indices = @transform_3, window_bounds = array<i64: 128, 64>}, {pipeline_mode = #tpu.pipeline_mode<synchronous>, transform_indices = @transform_4, window_bounds = array<i64: 1, 64>}, {transform_indices = @transform_5, window_bounds = array<i64: 1000, 64>}]} {
    %get3A = arith.constant 0 : index
    %get3A_0 = arith.constant 0 : index
    %get3A_1 = vector.load %arg3[%get3A, %get3A_0] : memref<1000x1xf32, #tpu.memory_space<vmem>>, vector<1000x1xf32>
    %add3A = arith.constant 1.000000e+00 : f32
    %add3A_2 = vector.broadcast %add3A : f32 to vector<1000x1xf32>
    %add3A_3 = arith.addf %get3A_1, %add3A_2 : vector<1000x1xf32>
    %rsqrt3A = math.rsqrt %add3A_3 : vector<1000x1xf32>
    %get3A_4 = arith.constant 0 : index
    %get3A_5 = arith.constant 0 : index
    %get3A_6 = arith.constant 0 : index
    %get3A_7 = vector.load %arg1[%get3A_4, %get3A_5, %get3A_6] : memref<2x1000x128xf32, #tpu.memory_space<vmem>>, vector<1x1000x128xf32>
    %get3A_8 = vector.shape_cast %get3A_7 : vector<1x1000x128xf32> to vector<1000x128xf32>
    %get3A_9 = arith.constant 1 : index
    %get3A_10 = arith.constant 0 : index
    %get3A_11 = arith.constant 0 : index
    %get3A_12 = vector.load %arg1[%get3A_9, %get3A_10, %get3A_11] : memref<2x1000x128xf32, #tpu.memory_space<vmem>>, vector<1x1000x128xf32>
    %get3A_13 = vector.shape_cast %get3A_12 : vector<1x1000x128xf32> to vector<1000x128xf32>
    %add3A_14 = arith.addf %get3A_8, %get3A_13 : vector<1000x128xf32>
    %get3A_15 = arith.constant 0 : index
    %get3A_16 = arith.constant 0 : index
    %get3A_17 = vector.load %arg2[%get3A_15, %get3A_16] : memref<1000x128xf32, #tpu.memory_space<vmem>>, vector<1000x128xf32>
    %sub3A = arith.subf %add3A_14, %get3A_17 : vector<1000x128xf32>
    %mul3A = vector.broadcast %rsqrt3A : vector<1000x1xf32> to vector<1000x128xf32>
    %mul3A_18 = arith.mulf %sub3A, %mul3A : vector<1000x128xf32>
    %get3A_19 = arith.constant 0 : index
    %get3A_20 = arith.constant 0 : index
    %get3A_21 = vector.load %arg4[%get3A_19, %get3A_20] : memref<128x64xf32, #tpu.memory_space<vmem>>, vector<128x64xf32>
    %dot_general3A = arith.constant dense<0.000000e+00> : vector<1000x64xf32>
    %dot_general3A_22 = tpu.matmul %mul3A_18, %get3A_21, %dot_general3A {dimension_numbers = #tpu.dot_dimension_numbers<[1], [0], [0], [1], [0, 0, 1, 1], [], []>, transpose_lhs_hint = false} : vector<1000x128xf32>, vector<128x64xf32>, vector<1000x64xf32> -> vector<1000x64xf32>
    %get3A_23 = arith.constant 0 : index
    %get3A_24 = arith.constant 0 : index
    %get3A_25 = vector.load %arg5[%get3A_23, %get3A_24] : memref<1x64xf32, #tpu.memory_space<vmem>>, vector<1x64xf32>
    %add3A_26 = vector.broadcast %get3A_25 : vector<1x64xf32> to vector<1000x64xf32>
    %add3A_27 = arith.addf %dot_general3A_22, %add3A_26 : vector<1000x64xf32>
    %iota3A = tpu.iota {dimensions = array<i32: 1>} : vector<1000x64xi32>
    %lt3A = arith.constant 40 : i32
    %lt3A_28 = vector.broadcast %lt3A : i32 to vector<1000x64xi32>
    %lt3A_29 = arith.cmpi slt, %iota3A, %lt3A_28 : vector<1000x64xi32>
    %jit3A = arith.constant -1.000000e+30 : f32
    %broadcast_in_dim3A = vector.broadcast %jit3A : f32 to vector<1000x64xf32>
    %select_n3A = arith.select %lt3A_29, %add3A_27, %broadcast_in_dim3A : vector<1000x64xi1>, vector<1000x64xf32>
    %reduce_max3A = arith.constant dense<0xFF800000> : vector<1000xf32>
    %reduce_max3A_30 = vector.multi_reduction <maximumf>, %select_n3A, %reduce_max3A [1] : vector<1000x64xf32> to vector<1000xf32>
    %broadcast_in_dim3A_31 = vector.shape_cast %reduce_max3A_30 : vector<1000xf32> to vector<1000x1xf32>
    %sub3A_32 = vector.broadcast %broadcast_in_dim3A_31 : vector<1000x1xf32> to vector<1000x64xf32>
    %sub3A_33 = arith.subf %add3A_27, %sub3A_32 : vector<1000x64xf32>
    %exp3A = math.exp %sub3A_33 : vector<1000x64xf32>
    %jit3A_34 = arith.constant 0.000000e+00 : f32
    %broadcast_in_dim3A_35 = vector.broadcast %jit3A_34 : f32 to vector<1000x64xf32>
    %select_n3A_36 = arith.select %lt3A_29, %exp3A, %broadcast_in_dim3A_35 : vector<1000x64xi1>, vector<1000x64xf32>
    %reduce_sum3A = arith.constant dense<0.000000e+00> : vector<1000xf32>
    %reduce_sum3A_37 = vector.multi_reduction <add>, %select_n3A_36, %reduce_sum3A [1] : vector<1000x64xf32> to vector<1000xf32>
    %broadcast_in_dim3A_38 = vector.shape_cast %reduce_sum3A_37 : vector<1000xf32> to vector<1000x1xf32>
    %log3A = math.log %broadcast_in_dim3A_38 : vector<1000x1xf32>
    %sub3A_39 = vector.broadcast %broadcast_in_dim3A_31 : vector<1000x1xf32> to vector<1000x64xf32>
    %sub3A_40 = arith.subf %add3A_27, %sub3A_39 : vector<1000x64xf32>
    %sub3A_41 = vector.broadcast %log3A : vector<1000x1xf32> to vector<1000x64xf32>
    %sub3A_42 = arith.subf %sub3A_40, %sub3A_41 : vector<1000x64xf32>
    %swap3A = arith.constant 0 : index
    %swap3A_43 = arith.constant 0 : index
    %swap3A_44 = vector.load %arg6[%swap3A, %swap3A_43] : memref<1000x64xf32, #tpu.memory_space<vmem>>, vector<1000x64xf32>
    tpu.vector_store %arg6[%swap3A, %swap3A_43], %sub3A_42 {strides = array<i32>} : memref<1000x64xf32, #tpu.memory_space<vmem>>, vector<1000x64xf32>,
    return
  }
  func.func @transform_0(%arg0: i32) -> (i32, i32, i32) {
    %c0_i32 = arith.constant 0 : i32
    %c0_i32_0 = arith.constant 0 : i32
    %c0_i32_1 = arith.constant 0 : i32
    return %c0_i32, %arg0, %c0_i32_0 : i32, i32, i32
  }
  func.func @transform_1(%arg0: i32) -> (i32, i32) {
    %c0_i32 = arith.constant 0 : i32
    %c0_i32_0 = arith.constant 0 : i32
    return %arg0, %c0_i32 : i32, i32
  }
  func.func @transform_2(%arg0: i32) -> (i32, i32) {
    %c0_i32 = arith.constant 0 : i32
    %c0_i32_0 = arith.constant 0 : i32
    return %arg0, %c0_i32 : i32, i32
  }
  func.func @transform_3(%arg0: i32) -> (i32, i32) {
    %c0_i32 = arith.constant 0 : i32
    %c0_i32_0 = arith.constant 0 : i32
    %c0_i32_1 = arith.constant 0 : i32
    return %c0_i32, %c0_i32_0 : i32, i32
  }
  func.func @transform_4(%arg0: i32) -> (i32, i32) {
    %c0_i32 = arith.constant 0 : i32
    %c0_i32_0 = arith.constant 0 : i32
    %c0_i32_1 = arith.constant 0 : i32
    return %c0_i32, %c0_i32_0 : i32, i32
  }
  func.func @transform_5(%arg0: i32) -> (i32, i32) {
    %c0_i32 = arith.constant 0 : i32
    %c0_i32_0 = arith.constant 0 : i32
    return %arg0, %c0_i32 : i32, i32
  }
}

</mosaic_0001>

<sc_bundles>
// kernel: kernel.11.cloned.1.call-start
scs
__scs_entry_jumppad:
0x0: {  	(pc) =	sbr.rel $0x88, $3  }
0x1: {  	(tag) =	ssettag $0x0;
	lr =	simm.s32 $0x1  }
0x2: {  	[smem:$0x3F9B] =	sst lr;
	_ =	strace $0xD0000000  }
0x3: {  	_ = 	snop  }
0x4: {  	_ = 	snop  }
0x5: {  	_ = 	snop  }
0x6: {  	_ = 	snop  }
0x7: {  	_ = 	snop  }
__scs_overlays_trampoline_lowered:
0x8: {  	[smem:$0x3FAA] =	sst s0  }
0x9: {  	[smem:$0x3FAB] =	sst s1  }
0xa: {  	[smem:$0x3FAC] =	sst s2  }
0xb: {  	[smem:$0x3FAD] =	sst s3  }
0xc: {  	[smem:$0x3FAE] =	sst s4  }
0xd: {  	[smem:$0x3FAF] =	sst s5  }
0xe: {  	[smem:$0x3FB0] =	sst s6  }
0xf: {  	[smem:$0x3FB1] =	sst s7  }
0x10: {  	[smem:$0x3FB2] =	sst s8  }
0x11: {  	[smem:$0x3FB3] =	sst s9;
	s0 =	simm.s32 @!p0 $0x0  }
0x12: {  	s1 =	sld [smem:$0x3F99];
	s0 =	simm.s32 @p0 $0x1  }
0x13: {  	[smem:$0x3FB4] =	sst s0;
	s0 =	simm.s32 @!p1 $0x0  }
0x14: {  	s2 =	sld [smem:$0x3F98];
	s0 =	simm.s32 @p1 $0x1  }
0x15: {  	[smem:$0x3FB5] =	sst s0;
	s0 =	simm.s32 @!p2 $0x0  }
0x16: {  	s3 =	sld [smem:$0x3FDB];
	s0 =	simm.s32 @p2 $0x1  }
0x17: {  	s4 =	simm.s32 $0x1BF5;
	[smem:$0x3FB7] =	sst s0  }
0x18: {  	s0 =	sld [smem:$0x3F9A];
	_ =	swait.ge [sflag:s4], $0x0  }
0x19: {  	s7 =	sld [smem:$0x3F9B]  }
0x1a: {  	s8 =	sadd.s32 $0xFFFFE003, lr  }
0x1b: {  	s9 =	sadd.s32 $0xFFFFFEF7, lr;
	s5 =	simm.s32 $0xFFFFFFFF;
	p2 =	slt.u32 s8, $0xFFFFF086  }
0x1c: {  	p1 =	slt.u32 s9, $0xF7A;
	s5 =	simm.s32 @!p2 $0x0  }
0x1d: {  	s5 =	simm.s32 @p1 $0x1;
	p0 =	seq.s32 s7, s2  }
0x1e: {  	s7 =	smul.u32 @!p0 $0xF7A, s2;
	p2 =	seq.s32 @!p0 s5, $0x0  }
0x1f: {  	s9 =	smul.u32 $0xF7A, s1;
	s8 =	simm.s32 @!p0 $0x1BF5;
	p2 =	por !p2, p0  }
0x20: {  	[sflag:s8] =	ssyncset.s32 @!p0 $0xFFFFF086;
	s6 =	sadd.s32 @!p0 s3, s7;
	s7 =	simm.s32 @!p0 $0x108  }
0x21: {  	s3 =	sadd.s32 s3, s9;
	s6 =	sadd.s32 @!p0 $0x88, s6;
	s7 =	simm.s32 @p2 $0x1082  }
0x22: {  	[simem:s7], [sflag:s8] =	dma.local @!p0 [hbm:s6], $0xF7A  }
0x23: {  	s9 =	sor.u32 $0xD0000000, s2;
	s6 =	simm.s32 $0x108;
	_ =	swait.ge @!p0 [sflag:s8], $0x0  }
0x24: {  	s3 =	sadd.s32 $0x88, s3;
	s6 =	simm.s32 @!p1 $0x1082;
	[sflag:s4] =	ssyncset.s32 $0xFFFFF086  }
0x25: {  	[simem:s6], [sflag:s4] =	dma.local [hbm:s3], $0xF7A  }
0x26: {  	[smem:$0x3F9B] =	sst s1;
	(tag) =	ssettag s2;
	_ =	strace s9  }
0x27: {  	s1 =	sld [smem:$0x3FAB]  }
0x28: {  	s2 =	sld [smem:$0x3FAC]  }
0x29: {  	s4 =	sld [smem:$0x3FAE]  }
0x2a: {  	p0 =	seq.s32 s5, $0x0;
	s5 =	sld [smem:$0x3FAF]  }
0x2b: {  	s6 =	sld [smem:$0x3FB0]  }
0x2c: {  	s7 =	sld [smem:$0x3FB1]  }
0x2d: {  	s3 =	simm.s32 $0x108;
	s8 =	sld [smem:$0x3FB2]  }
0x2e: {  	s3 =	simm.s32 @!p0 $0x1082;
	s9 =	sld [smem:$0x3FB3]  }
0x2f: {  	lr =	sadd.s32 s0, s3;
	s0 =	sld [smem:$0x3FAA]  }
0x30: {  	s3 =	sld [smem:$0x3FAD]  }
0x31: {  	[smem:$0x3FB6] =	sst s10  }
0x32: {  	s10 =	sld [smem:$0x3FB4];
	_ =	sdelay $0x3  }
0x33: {  	p0 =	seq.s32 s10, $0x1;
	s10 =	sld [smem:$0x3FB6];
	_ =	sdelay $0x3  }
0x34: {  	[smem:$0x3FB6] =	sst s10  }
0x35: {  	s10 =	sld [smem:$0x3FB5];
	_ =	sdelay $0x3  }
0x36: {  	p1 =	seq.s32 s10, $0x1;
	s10 =	sld [smem:$0x3FB6];
	_ =	sdelay $0x3  }
0x37: {  	[smem:$0x3FB6] =	sst s10  }
0x38: {  	s10 =	sld [smem:$0x3FB7]  }
0x39: {  	_ = 	snop;
	(pc) =	sbr.ind lr, $3  }
0x3a: {  	_ = 	snop  }
0x3b: {  	_ = 	snop  }
0x3c: {  	p2 =	seq.s32 s10, $0x1;
	s10 =	sld [smem:$0x3FB6]  }
0x3d: {  	_ =	shalt  }
0x3e: {  	_ =	shalt  }
0x3f: {  	_ =	shalt  }
0x40: {  	_ =	shalt  }
0x41: {  	_ =	shalt  }
0x42: {  	_ =	shalt  }
0x43: {  	_ =	shalt  }
0x44: {  	_ =	shalt  }
0x45: {  	_ =	shalt  }
0x46: {  	_ =	shalt  }
0x47: {  	_ =	shalt  }
0x48: {  	_ =	shalt  }
0x49: {  	_ =	shalt  }
0x4a: {  	_ =	shalt  }
0x4b: {  	_ =	shalt  }
0x4c: {  	_ =	shalt  }
0x4d: {  	_ =	shalt  }
0x4e: {  	_ =	shalt  }
0x4f: {  	_ =	shalt  }
0x50: {  	_ =	shalt  }
0x51: {  	_ =	shalt  }
0x52: {  	_ =	shalt  }
0x53: {  	_ =	shalt  }
0x54: {  	_ =	shalt  }
0x55: {  	_ =	shalt  }
0x56: {  	_ =	shalt  }
0x57: {  	_ =	shalt  }
0x58: {  	_ =	shalt  }
0x59: {  	_ =	shalt  }
0x5a: {  	_ =	shalt  }
0x5b: {  	_ =	shalt  }
0x5c: {  	_ =	shalt  }
0x5d: {  	_ =	shalt  }
0x5e: {  	_ =	shalt  }
0x5f: {  	_ =	shalt  }
0x60: {  	_ =	shalt  }
0x61: {  	_ =	shalt  }
0x62: {  	_ =	shalt  }
0x63: {  	_ =	shalt  }
0x64: {  	_ =	shalt  }
0x65: {  	_ =	shalt  }
0x66: {  	_ =	shalt  }
0x67: {  	_ =	shalt  }
0x68: {  	_ =	shalt  }
0x69: {  	_ =	shalt  }
0x6a: {  	_ =	shalt  }
0x6b: {  	_ =	shalt  }
0x6c: {  	_ =	shalt  }
0x6d: {  	_ =	shalt  }
0x6e: {  	_ =	shalt  }
0x6f: {  	_ =	shalt  }
0x70: {  	_ =	shalt  }
0x71: {  	_ =	shalt  }
0x72: {  	_ =	shalt  }
0x73: {  	_ =	shalt  }
0x74: {  	_ =	shalt  }
0x75: {  	_ =	shalt  }
0x76: {  	_ =	shalt  }
0x77: {  	_ =	shalt  }
0x78: {  	_ =	shalt  }
0x79: {  	_ =	shalt  }
0x7a: {  	_ =	shalt  }
0x7b: {  	_ =	shalt  }
0x7c: {  	_ =	shalt  }
0x7d: {  	_ =	shalt  }
0x7e: {  	_ =	shalt  }
0x7f: {  	_ =	shalt  }
0x80: {  	_ =	shalt  }
0x81: {  	_ =	shalt  }
0x82: {  	_ =	shalt  }
0x83: {  	_ =	shalt  }
0x84: {  	_ =	shalt  }
0x85: {  	_ =	shalt  }
0x86: {  	_ =	shalt  }
0x87: {  	_ =	shalt  }
.Lfunc_end0:
.L_simem_size_0:
called_computation.1_lowered:
.L_overlay_start_0:
0x88: {  	s2 =	sld [smem:$0x3FD9]  }
0x89: {  	s3 =	sld [smem:$0x3FFE];
	_ =	sdelay $0x1  }
0x8a: {  	s1 =	srdreg.scid  }
0x8b: {  	s0 =	sand.u32 $0x1, s1  }
0x8c: {  	s17 =	sshll.u32 s0, $0xA;
	s2 =	sadd.s32 s3, s2  }
0x8d: {  	s2 =	sadd.s32 s2, s17  }
0x8e: {  	[smem:$0x3FC2] =	sst s2  }
0x8f: {  	_ = 	snop  }
0x90: {  	s2 =	sld [smem:$0x3FD0];
	(tm) =	ssettm $0x1  }
0x91: {  	s18 =	sld [smem:$0x3FFB];
	_ =	sdelay $0x3  }
0x92: {  	_ =	strace s18  }
0x93: {  	s3 =	sld [smem:$0x3FFC];
	_ =	sdelay $0x3  }
0x94: {  	_ =	strace s3  }
0x95: {  	s3 =	sld [smem:$0x3FFD];
	_ =	sdelay $0x3  }
0x96: {  	_ =	strace s3  }
0x97: {  	_ =	strace $0x8FFFFFFF  }
0x98: {  	s19 =	sld [smem:$0x3FDB];
	_ =	sdelay $0x1  }
0x99: {  	s4 =	simm.s32 $_scs_section_size  }
0x9a: {  	s5 =	simm.s32 $_size__tile_overlayer_lowered;
	s6 =	simm.s32 $_tile_overlayer_lowered  }
0x9b: {  	s22 =	simm.s32 $0x1BFF;
	s21 =	sshll.u32 s6, $0x1;
	s3 =	sadd.s32 s4, s19  }
0x9c: {  	s7 =	simm.s32 $0x0;
	s20 =	sshll.u32 s5, $0x1;
	s5 =	sadd.s32 s21, s3  }
0x9d: {  	[timem:s7], [sflag:s22] =	dma.local [hbm:s5], s20  }
0x9e: {  	_ =	swait.ge [sflag:s22], s20  }
0x9f: {  	s4 =	ssub.s32 $0x0, s20;
	[sflag:s22] =	ssyncset.done $0x0  }
0xa0: {  	[sflag:s22] =	ssyncadd.s32 s4;
	_ =	sdelay $0x1  }
0xa1: {  	s23 =	simm.s32 $0x1B8B  }
0xa2: {  	_ =	swait.ge [sflag:s23], $0x1  }
0xa3: {  	[sflag:s23] =	ssyncset.done $0x0  }
0xa4: {  	s25 =	simm.s32 $0x1B8E;
	s24 =	sld [smem:$0x3FFE];
	[sflag:s23] =	ssyncadd.s32 $0xFFFFFFFF  }
0xa5: {  	s26 =	simm.s32 $execute0_lowered;
	[smem:$0x3FD2] =	sst s25  }
0xa6: {  	s5 =	sshll.u32 s26, $0x1;
	_ =	strace $0x80000049;
	[dreg:$0x1] =	wrdreg $0xFFFFFFFF  }
0xa7: {  	s28 =	simm.s32 $_size_execute0_lowered;
	s3 =	sadd.s32 s3, s5;
	[dreg:$0x0] =	wrdreg $0x0  }
0xa8: {  	s5 =	sshll.u32 s28, $0x1;
	[dreg:$0x2] =	wrdreg s3  }
0xa9: {  	[dreg:$0x3] =	wrdreg s5  }
0xaa: {  	[dreg:$0x4] =	wrdreg $0xC0  }
0xab: {  	_ =	task [dreg:s7], $0x5FFFF  }
0xac: {  	[dreg:$0x1] =	wrdreg $0xFFFFFFFF  }
0xad: {  	[dreg:$0x0] =	wrdreg $0x60  }
0xae: {  	[dreg:$0x2] =	wrdreg s24  }
0xaf: {  	[dreg:$0x3] =	wrdreg s2  }
0xb0: {  	[dreg:$0x4] =	wrdreg $0xA4000  }
0xb1: {  	[dreg:$0x5] =	wrdreg $0x9  }
0xb2: {  	_ =	task.clear_ibuf [dreg:s7], $0x6FFFF;
	_ =	strace $0x90000049  }
0xb3: {  	s29 =	simm.s32 $0x9;
	_ =	strace $0x8000004B  }
0xb4: {  	_ =	swait.ge [sflag:s29], $0x1  }
0xb5: {  	[sflag:s29] =	ssyncadd.s32 $0xFFFFFFFF  }
0xb6: {  	_ =	strace $0x9000004B  }
0xb7: {  	_ =	sfence  }
0xb8: {  	s30 =	sld [smem:$0x0];
	_ =	sdelay $0x2  }
0xb9: {  	s31 =	sshll.u32 s1, $0xD;
	s1 =	sshrl.u32 s1, $0x2  }
0xba: {  	s3 =	sand.u32 $0x4000, s31;
	s1 =	sadd.s32 s1, s30  }
0xbb: {  	s0 =	sor.u32 s3, s0;
	s1 =	sshll.u32 s1, $0x11  }
0xbc: {  	s0 =	sor.u32 s1, s0  }
0xbd: {  	s0 =	sadd.s32 $0x8F2B, s0  }
0xbe: {  	[sflag:s0] =	ssyncadd.remote.s32 $0x1  }
0xbf: {  	_ =	sfence.sel $0xFFFF  }
0xc0: {  	[dreg:$0x0] =	wrdreg $0xFFFFFFFF;
	(pc) =	sbr.abs _section_cstart, $3  }
0xc1: {  	[dreg:$0x1] =	wrdreg $0xFFFFFFFF  }
0xc2: {  	_ =	task.clear_ibuf [dreg:s7], $0x2FFFF;
	_ =	strace $0x9FFFFFFF  }
0xc3: {  	(tm) =	ssettm $0x7FFFFFFF  }
tec
execute0_lowered:
.L_overlay_start_1:
0x0: {  	(tag) =	ssettag $0x1  }
0x1: {  	s0 =	rddreg [dreg:$0x0]  }
0x2: {  	s1 =	rddreg [dreg:$0x1]  }
0x3: {  	s2 =	rddreg [dreg:$0x2]  }
0x4: {  	s4 =	srdreg.scid;
	s12 =	stileid.u32;
	s3 =	simm.s32 $0x0  }
0x5: {  	s29 =	simm.s32 $0xC;
	s31 =	simm.s32 $0x380;
	s7 =	smul.u32 $0x2700, s12  }
0x6: {  	s6 =	sand.u32 $0x1, s4;
	[smem:$0x7FF] =	sst s3;
	s9 =	smul.u32 $0x4E000, s12  }
0x7: {  	s4 =	sadd.s32 $0xBE00, s0;
	s5 =	sadd.s32 $0x2000, s0;
	s21 =	smul.u32 $0x4E20, s12  }
0x8: {  	s10 =	sshll.u32 s12, $0x1;
	s17 =	sshll.u32 s12, $0x6;
	s8 =	smul.u32 $0x27100, s6  }
0x9: {  	_ =	strace $0x8000004A;
	s16 =	ssub.s32 $0x2, s6;
	s10 =	sor.u32 s6, s10  }
0xa: {  	s24 =	sor.u32 $0x1C11, s17;
	s6 =	smul.u32 $0x2710, s6;
	s11 =	sshrl.u32 s16, $0x1  }
0xb: {  	s9 =	sshrl.u32 s9, $0x2;
	s10 =	smul.u32 $0x2710, s10;
	[dreg:$0x6] =	wrdreg s24  }
0xc: {  	s8 =	sadd.s32 s7, s8;
	s9 =	sadd.s32 s9, s2;
	s7 =	sadd.s32 s4, s7  }
0xd: {  	s6 =	sadd.s32 s6, s21;
	s0 =	sadd.s32 s8, s0;
	[dreg:$0x4] =	wrdreg s9  }
0xe: {  	s8 =	ssub.s32 s16, s11;
	[dreg:$0x5] =	wrdreg s7;
	s18 =	sshrl.u32 s10, $0x3  }
0xf: {  	s13 =	sshrl.u32 s6, $0x3;
	s14 =	sadd.s32 $0xF0, s6;
	s15 =	sadd.s32 $0xA0, s6  }
0x10: {  	s16 =	sadd.s32 $0x50, s6;
	s19 =	sadd.s32 s5, s18;
	s20 =	sadd.s32 s1, s18  }
0x11: {  	s10 =	sadd.s32 $0xA, s18;
	s22 =	sadd.s32 $0x14, s18;
	s30 =	sadd.s32 $0x1E, s18  }
0x12: {  	s7 =	sadd.s32 $0x4D8, s18;
	s17 =	sadd.s32 s13, s1;
	s9 =	sshrl.u32 s14, $0x3  }
0x13: {  	s0 =	sadd.s32 $0x33000, s0;
	s13 =	simm.s32 $0x4;
	[dreg:$0x7] =	wrdreg s19  }
0x14: {  	s14 =	simm.s32 $0x7C00;
	[dreg:$0x8] =	wrdreg s20;
	s23 =	sadd.s32 s5, s10  }
0x15: {  	s10 =	sadd.s32 s1, s10;
	s25 =	sadd.s32 s5, s22;
	[dreg:$0x11] =	wrdreg s0  }
0x16: {  	s26 =	sadd.s32 s1, s22;
	s11 =	sadd.s32 s5, s30;
	[dreg:$0x9] =	wrdreg s23  }
0x17: {  	s12 =	sadd.s32 s1, s30;
	s18 =	sadd.s32 s9, s1;
	[dreg:$0xa] =	wrdreg s10  }
0x18: {  	s19 =	sshrl.u32 s15, $0x3;
	s20 =	sshrl.u32 s16, $0x3;
	[dreg:$0xb] =	wrdreg s25  }
0x19: {  	s21 =	sadd.s32 s5, s7;
	s22 =	smax.u32 s8, $0x1;
	[dreg:$0xc] =	wrdreg s26  }
0x1a: {  	s30 =	sadd.s32 $0x140, s6;
	s9 =	simm.s32 $0x200;
	[dreg:$0xd] =	wrdreg s11  }
0x1b: {  	s15 =	simm.s32 $0x9;
	s16 =	simm.s32 $0x5;
	[dreg:$0xe] =	wrdreg s12  }
0x1c: {  	s8 =	simm.s32 $0x8;
	s19 =	sadd.s32 s19, s1;
	[dreg:$0x10] =	wrdreg s21  }
0x1d: {  	s20 =	sadd.s32 s20, s1;
	s1 =	sadd.s32 s1, s7;
	[dreg:$0x12] =	wrdreg s22  }
0x1e: {  	s23 =	sadd.s32 $0x230, s6;
	s25 =	sadd.s32 $0x1E0, s6;
	s26 =	sadd.s32 $0x190, s6  }
0x1f: {  	[dreg:$0x13] =	wrdreg s30;
	s6 =	simm.s32 $0x380;
	s10 =	simm.s32 $0x2  }
.Ltmp0:
0x20: {  	s11 =	simm.s32 $0x50;
	s21 =	simm.s32 $0x400;
	(pc) =	sbr.rel .LBB2_1-.Ltmp0, $4  }
0x21: {  	s22 =	simm.s32 $0xB;
	s12 =	simm.s32 $0x0;
	[dreg:$0xf] =	wrdreg s1  }
0x22: {  	s0 =	sshrl.u32 s23, $0x3;
	s1 =	sshrl.u32 s25, $0x3;
	s7 =	sshrl.u32 s26, $0x3  }
0x23: {  	s23 =	simm.s32 $0x7;
	s25 =	sadd.s32 s0, s5;
	s26 =	sadd.s32 s1, s5  }
0x24: {  	s28 =	sadd.s32 s7, s5;
	s1 =	simm.s32 $0x11;
	s7 =	simm.s32 $0x180  }
.LBB2_4:
0x25: {  	_ =	swait.ge [sflag:s29], $0x2800  }
0x26: {  	[sflag:s29] =	ssyncset.done $0x0  }
0x27: {  	[sflag:s29] =	ssyncadd.s32 $0xFFFFD800  }
0x28: {  	_ =	swait.ge [sflag:s8], $0x50  }
0x29: {  	[sflag:s8] =	ssyncset.done $0x0  }
0x2a: {  	s6 =	simm.s32 $0x380;
	s0 =	simm.s32 $0xD;
	[sflag:s8] =	ssyncadd.s32 $0xFFFFFFB0  }
0x2b: {  	[spmem:s2] =	stream.indirect.scatter.add.f32 [tilespmem:s14], [sflag:$0x10], $0x80, s6, s11, $0xb8;
	[tilespmem:$0x1DC80] =	vst v63  }
0x2c: {  	_ =	swait.ge [sflag:s0], $0x2800  }
0x2d: {  	[sflag:s0] =	ssyncset.done $0x0  }
0x2e: {  	s30 =	simm.s32 $0xE;
	[sflag:s0] =	ssyncadd.s32 $0xFFFFD800  }
0x2f: {  	_ =	swait.ge [sflag:s30], $0x2800  }
0x30: {  	[sflag:s30] =	ssyncset.done $0x0  }
0x31: {  	s1 =	simm.s32 $0xF;
	[sflag:s30] =	ssyncadd.s32 $0xFFFFD800  }
0x32: {  	_ =	swait.ge [sflag:s1], $0x2800  }
0x33: {  	[sflag:s1] =	ssyncset.done $0x0  }
0x34: {  	s9 =	simm.s32 $0x10;
	[sflag:s1] =	ssyncadd.s32 $0xFFFFD800  }
0x35: {  	_ =	swait.ge [sflag:s9], $0x2800  }
0x36: {  	[sflag:s9] =	ssyncset.done $0x0  }
0x37: {  	s1 =	simm.s32 $0x11;
	s12 =	rddreg [dreg:$0x10];
	[sflag:s9] =	ssyncadd.s32 $0xFFFFD800  }
0x38: {  	[tilespmem:s3], [sflag:$0x11] =	stream.linear.gather [hbm4b:s12+s3], $0x50, $0x38;
	[tilespmem:$0x1DC80] =	vst v63  }
0x39: {  	_ =	swait.ge [sflag:s1], $0x50  }
0x3a: {  	[sflag:s1] =	ssyncset.done $0x0  }
0x3b: {  	s9 =	simm.s32 $0x200;
	s21 =	rddreg [dreg:$0xf];
	[sflag:s1] =	ssyncadd.s32 $0xFFFFFFB0  }
0x3c: {  	[tilespmem:s9], [sflag:$0x11] =	stream.linear.gather [hbm4b:s21+s3], $0x50, $0x38;
	[tilespmem:$0x1DC80] =	vst v63  }
0x3d: {  	_ =	swait.ge [sflag:s1], $0x50  }
0x3e: {  	[sflag:s1] =	ssyncset.done $0x0  }
0x3f: {  	s24 =	simm.s32 $0x400;
	[sflag:s1] =	ssyncadd.s32 $0xFFFFFFB0  }
0x40: {  	[tilespmem:s24], [sflag:$0x9] =	stream.indirect.gather [hbm4b:s4+s11], $0x80, s3, s11, $0xb8;
	[tilespmem:$0x1DC80] =	vst v63  }
0x41: {  	_ =	swait.ge [sflag:s15], $0x2800  }
0x42: {  	[sflag:s15] =	ssyncset.done $0x0  }
0x43: {  	[sflag:s15] =	ssyncadd.s32 $0xFFFFD800  }
0x44: {  	[spmem:s2] =	stream.indirect.scatter.add.f32 [tilespmem:s24], [sflag:$0x11], $0x80, s9, s11, $0xb8;
	[tilespmem:$0x1DC80] =	vst v63  }
0x45: {  	_ =	swait.ge [sflag:s1], $0x2800  }
0x46: {  	[sflag:s1] =	ssyncset.done $0x0  }
0x47: {  	[sflag:s1] =	ssyncadd.s32 $0xFFFFD800  }
0x48: {  	[bflag:$0x0] =	sbarrier.arrive $0xFFFF  }
0x49: {  	s24 =	rddreg [dreg:$0x6]  }
0x4a: {  	s30 =	rddreg [dreg:$0x11]  }
0x4b: {  	s12 =	rddreg [dreg:$0x15]  }
0x4c: {  	[hbm:s30], [sflag:s24] =	dma.local [spmem:s12], $0x2800  }
0x4d: {  	_ =	swait.ge [sflag:s1], $0x2800  }
0x4e: {  	s0 =	rddreg [dreg:$0x14]  }
0x4f: {  	s30 =	rddreg [dreg:$0x12];
	s12 =	sadd.s32 $0x1, s0  }
0x50: {  	p0 =	sne.s32 s12, s30  }
.Ltmp1:
0x51: {  	_ = 	snop;
	(pc) =	sbr.rel @!p0 .LBB2_5-.Ltmp1, $3  }
0x52: {  	_ =	sdelay $0x1  }
0x53: {  	[sflag:s1] =	ssyncset.done $0x0  }
0x54: {  	s21 =	simm.s32 $0x400;
	[sflag:s1] =	ssyncadd.s32 $0xFFFFD800  }
.LBB2_1:
0x55: {  	[dreg:$0x14] =	wrdreg s12  }
0x56: {  	s0 =	rddreg [dreg:$0x4]  }
0x57: {  	s12 =	sshrl.u32 s0, $0x3;
	s0 =	rddreg [dreg:$0x5]  }
0x58: {  	[dreg:$0x15] =	wrdreg s12  }
0x59: {  	[spmem:s12], [sflag:s24] =	dma.local [hbm:s0], $0x2800  }
0x5a: {  	_ =	swait.ge [sflag:s1], $0x2800  }
0x5b: {  	[sflag:s1] =	ssyncset.done $0x0  }
0x5c: {  	s24 =	rddreg [dreg:$0x7];
	[sflag:s1] =	ssyncadd.s32 $0xFFFFD800  }
0x5d: {  	[tilespmem:s3], [sflag:$0x1] =	stream.linear.gather [hbm4b:s24+s3], $0x50, $0x38;
	[tilespmem:$0x1DC80] =	vst v63  }
0x5e: {  	s1 =	rddreg [dreg:$0x8]  }
0x5f: {  	[tilespmem:s9], [sflag:$0x5] =	stream.linear.gather [hbm4b:s1+s3], $0x50, $0x38;
	[tilespmem:$0x1DC80] =	vst v63  }
0x60: {  	s12 =	rddreg [dreg:$0x9];
	s24 =	simm.s32 $0x80  }
0x61: {  	[tilespmem:s24], [sflag:$0x2] =	stream.linear.gather [hbm4b:s12+s3], $0x50, $0x38;
	[tilespmem:$0x1DC80] =	vst v63  }
0x62: {  	s1 =	rddreg [dreg:$0xa];
	s9 =	simm.s32 $0x280  }
0x63: {  	[tilespmem:s9], [sflag:$0x6] =	stream.linear.gather [hbm4b:s1+s3], $0x50, $0x38;
	[tilespmem:$0x1DC80] =	vst v63  }
0x64: {  	s12 =	rddreg [dreg:$0xb];
	s24 =	simm.s32 $0x100  }
0x65: {  	[tilespmem:s24], [sflag:$0x3] =	stream.linear.gather [hbm4b:s12+s3], $0x50, $0x38;
	[tilespmem:$0x1DC80] =	vst v63  }
0x66: {  	s1 =	rddreg [dreg:$0xc];
	s9 =	simm.s32 $0x300  }
0x67: {  	[tilespmem:s9], [sflag:$0x7] =	stream.linear.gather [hbm4b:s1+s3], $0x50, $0x38;
	[tilespmem:$0x1DC80] =	vst v63  }
0x68: {  	s12 =	rddreg [dreg:$0xd]  }
0x69: {  	[tilespmem:s7], [sflag:$0x4] =	stream.linear.gather [hbm4b:s12+s3], $0x50, $0x38;
	[tilespmem:$0x1DC80] =	vst v63  }
0x6a: {  	s24 =	rddreg [dreg:$0xe]  }
0x6b: {  	[tilespmem:s6], [sflag:$0x8] =	stream.linear.gather [hbm4b:s24+s3], $0x50, $0x38;
	[tilespmem:$0x1DC80] =	vst v63  }
0x6c: {  	[bflag:$0x0] =	sbarrier.arrive $0xFFFF  }
0x6d: {  	s1 =	simm.s32 $0x0;
	s30 =	rddreg [dreg:$0x13]  }
.LBB2_2:
0x6e: {  	p0 =	seq.s32 s1, $0x0  }
0x6f: {  	s0 =	simm.s32 @p0 $0x1  }
0x70: {  	_ =	swait.ge @p0 [sflag:s0], $0x50  }
0x71: {  	s12 =	simm.s32 @p0 $0x0;
	[sflag:s0] =	ssyncset.done @p0 $0x0  }
0x72: {  	s6 =	simm.s32 @p0 $0x400;
	[sflag:s0] =	ssyncadd.s32 @p0 $0xFFFFFFB0;
	s0 =	simm.s32 @p0 $0x50  }
0x73: {  	[tilespmem:s6], [sflag:$0x9] =	stream.indirect.gather @p0 [hbm4b:s4+s0], $0x80, s12, s0, $0xb8;
	[tilespmem:$0x1DC80] =	vst v63  }
0x74: {  	s6 =	simm.s32 @!p0 $0xD  }
0x75: {  	_ =	swait.ge @!p0 [sflag:s6], $0x2800  }
0x76: {  	s9 =	simm.s32 @!p0 $0x200;
	[sflag:s6] =	ssyncset.done @!p0 $0x0  }
0x77: {  	s12 =	simm.s32 @!p0 $0x0;
	[sflag:s6] =	ssyncadd.s32 @!p0 $0xFFFFD800;
	s6 =	sadd.s32 @!p0 s1, s17  }
0x78: {  	[tilespmem:s9], [sflag:$0x5] =	stream.linear.gather @!p0 [hbm4b:s6+s12], $0x50, $0x38;
	[tilespmem:$0x1DC80] =	vst v63  }
0x79: {  	s6 =	simm.s32 @!p0 $0x1  }
0x7a: {  	_ =	swait.ge @!p0 [sflag:s6], $0x50  }
0x7b: {  	[sflag:s6] =	ssyncset.done @!p0 $0x0  }
0x7c: {  	s9 =	simm.s32 @!p0 $0x400;
	[sflag:s6] =	ssyncadd.s32 @!p0 $0xFFFFFFB0;
	s6 =	simm.s32 @!p0 $0x50  }
0x7d: {  	[tilespmem:s9], [sflag:$0x9] =	stream.indirect.gather @!p0 [hbm4b:s4+s6], $0x80, s12, s6, $0xb8;
	[tilespmem:$0x1DC80] =	vst v63  }
0x7e: {  	s9 =	simm.s32 @!p0 $0xE  }
0x7f: {  	_ =	swait.ge @!p0 [sflag:s9], $0x2800  }
0x80: {  	[sflag:s9] =	ssyncset.done @!p0 $0x0  }
0x81: {  	s24 =	simm.s32 @!p0 $0x280;
	[sflag:s9] =	ssyncadd.s32 @!p0 $0xFFFFD800;
	s9 =	sadd.s32 @!p0 s1, s20  }
0x82: {  	[tilespmem:s24], [sflag:$0x6] =	stream.linear.gather @!p0 [hbm4b:s9+s12], $0x50, $0x38;
	[tilespmem:$0x1DC80] =	vst v63  }
0x83: {  	_ =	swait.ge [sflag:s10], $0x50  }
0x84: {  	[sflag:s10] =	ssyncset.done $0x0  }
0x85: {  	s9 =	simm.s32 $0x80;
	s24 =	simm.s32 $0x2C00;
	[sflag:s10] =	ssyncadd.s32 $0xFFFFFFB0  }
0x86: {  	[tilespmem:s24], [sflag:$0xA] =	stream.indirect.gather [hbm4b:s4+s11], $0x80, s9, s11, $0xb8;
	[tilespmem:$0x1DC80] =	vst v63  }
0x87: {  	s9 =	simm.s32 @p0 $0x3  }
0x88: {  	_ =	swait.ge @p0 [sflag:s9], $0x50  }
0x89: {  	[sflag:s9] =	ssyncset.done @p0 $0x0  }
0x8a: {  	s24 =	simm.s32 @p0 $0x5400;
	[sflag:s9] =	ssyncadd.s32 @p0 $0xFFFFFFB0;
	s9 =	simm.s32 @p0 $0x100  }
0x8b: {  	[tilespmem:s24], [sflag:$0xB] =	stream.indirect.gather @p0 [hbm4b:s4+s0], $0x80, s9, s0, $0xb8;
	[tilespmem:$0x1DC80] =	vst v63  }
0x8c: {  	s0 =	simm.s32 @!p0 $0xF  }
0x8d: {  	_ =	swait.ge @!p0 [sflag:s0], $0x2800  }
0x8e: {  	[sflag:s0] =	ssyncset.done @!p0 $0x0  }
0x8f: {  	s9 =	simm.s32 @!p0 $0x300;
	[sflag:s0] =	ssyncadd.s32 @!p0 $0xFFFFD800;
	s0 =	sadd.s32 @!p0 s1, s19  }
0x90: {  	[tilespmem:s9], [sflag:$0x7] =	stream.linear.gather @!p0 [hbm4b:s0+s12], $0x50, $0x38;
	[tilespmem:$0x1DC80] =	vst v63  }
0x91: {  	s0 =	simm.s32 @!p0 $0x3  }
0x92: {  	_ =	swait.ge @!p0 [sflag:s0], $0x50  }
0x93: {  	[sflag:s0] =	ssyncset.done @!p0 $0x0  }
0x94: {  	s9 =	simm.s32 @!p0 $0x5400;
	[sflag:s0] =	ssyncadd.s32 @!p0 $0xFFFFFFB0;
	s0 =	simm.s32 @!p0 $0x100  }
0x95: {  	[tilespmem:s9], [sflag:$0xB] =	stream.indirect.gather @!p0 [hbm4b:s4+s6], $0x80, s0, s6, $0xb8;
	[tilespmem:$0x1DC80] =	vst v63  }
0x96: {  	s0 =	simm.s32 @!p0 $0x10  }
0x97: {  	_ =	swait.ge @!p0 [sflag:s0], $0x2800  }
0x98: {  	[sflag:s0] =	ssyncset.done @!p0 $0x0  }
0x99: {  	s6 =	simm.s32 @!p0 $0x380;
	[sflag:s0] =	ssyncadd.s32 @!p0 $0xFFFFD800;
	s0 =	sadd.s32 @!p0 s1, s18  }
0x9a: {  	[tilespmem:s6], [sflag:$0x8] =	stream.linear.gather @!p0 [hbm4b:s0+s12], $0x50, $0x38;
	[tilespmem:$0x1DC80] =	vst v63  }
0x9b: {  	_ =	swait.ge [sflag:s13], $0x50  }
0x9c: {  	[sflag:s13] =	ssyncset.done $0x0  }
0x9d: {  	[sflag:s13] =	ssyncadd.s32 $0xFFFFFFB0  }
0x9e: {  	[tilespmem:s14], [sflag:$0xC] =	stream.indirect.gather [hbm4b:s4+s11], $0x80, s7, s11, $0xb8;
	[tilespmem:$0x1DC80] =	vst v63  }
0x9f: {  	_ =	swait.ge [sflag:s15], $0x2800  }
0xa0: {  	[sflag:s15] =	ssyncset.done $0x0  }
0xa1: {  	[sflag:s15] =	ssyncadd.s32 $0xFFFFD800  }
0xa2: {  	_ =	swait.ge [sflag:s16], $0x50  }
0xa3: {  	p0 =	seq.s32 s1, $0x4B0;
	[sflag:s16] =	ssyncset.done $0x0  }
0xa4: {  	s9 =	simm.s32 $0x200;
	s0 =	simm.s32 @p0 $0xA;
	[sflag:s16] =	ssyncadd.s32 $0xFFFFFFB0  }
0xa5: {  	[spmem:s2] =	stream.indirect.scatter.add.f32 [tilespmem:s21], [sflag:$0xD], $0x80, s9, s11, $0xb8;
	[tilespmem:$0x1DC80] =	vst v63  }
0xa6: {  	_ =	swait.ge @p0 [sflag:s0], $0x2800  }
0xa7: {  	[sflag:s0] =	ssyncset.done @p0 $0x0  }
0xa8: {  	[sflag:s0] =	ssyncadd.s32 @p0 $0xFFFFD800;
	s0 =	simm.s32 @p0 $0x6  }
0xa9: {  	_ =	swait.ge @p0 [sflag:s0], $0x50  }
0xaa: {  	s6 =	simm.s32 @p0 $0x280;
	[sflag:s0] =	ssyncset.done @p0 $0x0  }
0xab: {  	s9 =	simm.s32 @p0 $0x2C00;
	[sflag:s0] =	ssyncadd.s32 @p0 $0xFFFFFFB0;
	s0 =	simm.s32 @p0 $0x50  }
0xac: {  	[spmem:s2] =	stream.indirect.scatter.add.f32 @p0 [tilespmem:s9], [sflag:$0xE], $0x80, s6, s0, $0xb8;
	[tilespmem:$0x1DC80] =	vst v63  }
0xad: {  	s0 =	sshrl.u32 @!p0 s30, $0x3  }
0xae: {  	s6 =	simm.s32 @!p0 $0x0;
	s0 =	sadd.s32 @!p0 s5, s0  }
0xaf: {  	[tilespmem:s6], [sflag:$0x1] =	stream.linear.gather @!p0 [hbm4b:s0+s6], $0x50, $0x38;
	[tilespmem:$0x1DC80] =	vst v63  }
0xb0: {  	s0 =	simm.s32 @!p0 $0xA  }
0xb1: {  	_ =	swait.ge @!p0 [sflag:s0], $0x2800  }
0xb2: {  	[sflag:s0] =	ssyncset.done @!p0 $0x0  }
0xb3: {  	[sflag:s0] =	ssyncadd.s32 @!p0 $0xFFFFD800;
	s0 =	simm.s32 @!p0 $0x6  }
0xb4: {  	_ =	swait.ge @!p0 [sflag:s0], $0x50  }
0xb5: {  	s12 =	simm.s32 @!p0 $0x2C00;
	[sflag:s0] =	ssyncset.done @!p0 $0x0  }
0xb6: {  	s9 =	simm.s32 @!p0 $0x280;
	[sflag:s0] =	ssyncadd.s32 @!p0 $0xFFFFFFB0;
	s0 =	simm.s32 @!p0 $0x50  }
0xb7: {  	[spmem:s2] =	stream.indirect.scatter.add.f32 @!p0 [tilespmem:s12], [sflag:$0xE], $0x80, s9, s0, $0xb8;
	[tilespmem:$0x1DC80] =	vst v63  }
0xb8: {  	s0 =	sadd.s32 @!p0 s1, s28;
	s9 =	simm.s32 @!p0 $0x80  }
0xb9: {  	[tilespmem:s9], [sflag:$0x2] =	stream.linear.gather @!p0 [hbm4b:s0+s6], $0x50, $0x38;
	[tilespmem:$0x1DC80] =	vst v63  }
0xba: {  	_ =	swait.ge [sflag:s22], $0x2800  }
0xbb: {  	[sflag:s22] =	ssyncset.done $0x0  }
.Ltmp2:
0xbc: {  	[sflag:s22] =	ssyncadd.s32 $0xFFFFD800;
	(pc) =	sbr.rel @p0 .LBB2_4-.Ltmp2, $4  }
0xbd: {  	_ =	swait.ge [sflag:s23], $0x50  }
0xbe: {  	[sflag:s23] =	ssyncset.done $0x0  }
0xbf: {  	s24 =	simm.s32 $0x5400;
	s12 =	simm.s32 $0x300;
	[sflag:s23] =	ssyncadd.s32 $0xFFFFFFB0  }
0xc0: {  	[spmem:s2] =	stream.indirect.scatter.add.f32 [tilespmem:s24], [sflag:$0xF], $0x80, s12, s11, $0xb8;
	[tilespmem:$0x1DC80] =	vst v63  }
0xc1: {  	s0 =	sadd.s32 s1, s26;
	s6 =	simm.s32 $0x100  }
0xc2: {  	[tilespmem:s6], [sflag:$0x3] =	stream.linear.gather [hbm4b:s0+s3], $0x50, $0x38;
	[tilespmem:$0x1DC80] =	vst v63  }
0xc3: {  	_ =	swait.ge [sflag:s29], $0x2800  }
0xc4: {  	[sflag:s29] =	ssyncset.done $0x0  }
0xc5: {  	[sflag:s29] =	ssyncadd.s32 $0xFFFFD800  }
0xc6: {  	_ =	swait.ge [sflag:s8], $0x50  }
.Ltmp3:
0xc7: {  	[sflag:s8] =	ssyncset.done $0x0;
	(pc) =	sbr.rel .LBB2_2-.Ltmp3, $4  }
0xc8: {  	[sflag:s8] =	ssyncadd.s32 $0xFFFFFFB0  }
0xc9: {  	[spmem:s2] =	stream.indirect.scatter.add.f32 [tilespmem:s14], [sflag:$0x10], $0x80, s31, s11, $0xb8;
	[tilespmem:$0x1DC80] =	vst v63  }
0xca: {  	s24 =	sadd.s32 s1, s25;
	s1 =	sadd.s32 $0x28, s1;
	s30 =	sadd.s32 $0x140, s30  }
0xcb: {  	[tilespmem:s7], [sflag:$0x4] =	stream.linear.gather [hbm4b:s24+s3], $0x50, $0x38;
	[tilespmem:$0x1DC80] =	vst v63  }
.LBB2_5:
0xcc: {  	_ =	sfence.sel $0x180000  }
0xcd: {  	[bflag:$0x0] =	sbarrier.arrive $0xFFFF  }
0xce: {  	_ =	strace $0x9000004A  }
0xcf: {  	s0 =	stileid.u32;
	[bflag:$0x2] =	sbarrier.arrive $0xFFFF  }
0xd0: {  	p0 =	sne.s32 s0, $0x0;
	s0 =	rddreg [dreg:$0x3]  }
0xd1: {  	s0 =	sadd.s32 @!p0 $0x100000, s0  }
0xd2: {  	[sflag:s0] =	ssyncadd.tile.s32 @!p0 $0x1;
	_ =	shalt  }
.Lfunc_end2:
_tile_overlayer_lowered:
.L_overlay_start_2:
0xd3: {  	(tag) =	ssettag $0x2  }
0xd4: {  	s0 =	rddreg [dreg:$0x0];
	s2 =	stileid.u32  }
0xd5: {  	s1 =	rddreg [dreg:$0x1];
	p0 =	sne.s32 s2, $0x0  }
0xd6: {  	s3 =	rddreg [dreg:$0x2];
	[bflag:$0x3] =	sbarrier.arrive $0xFFFF;
	s2 =	simm.s32 @!p0 $0x1C11  }
0xd7: {  	[timem:s3], [sflag:s2] =	dma.local @!p0 [hbm:s0], s1  }
0xd8: {  	s0 =	simm.s32 @!p0 $0x11  }
0xd9: {  	_ =	swait.ge @!p0 [sflag:s0], s1  }
0xda: {  	s1 =	ssub.s32 @!p0 $0x0, s1;
	[sflag:s0] =	ssyncset.done @!p0 $0x0  }
0xdb: {  	[sflag:s0] =	ssyncadd.s32 @!p0 s1  }
0xdc: {  	[bflag:$0x3] =	sbarrier.arrive $0xFFFF  }
0xdd: {  	_ =	shalt  }

// kernel: kernel.8.cloned.1.call-start
scs
__scs_entry_jumppad:
0x0: {  	(pc) =	sbr.rel $0x88, $3  }
0x1: {  	(tag) =	ssettag $0x0;
	lr =	simm.s32 $0x1  }
0x2: {  	[smem:$0x3F9B] =	sst lr;
	_ =	strace $0xD0000000  }
0x3: {  	_ = 	snop  }
0x4: {  	_ = 	snop  }
0x5: {  	_ = 	snop  }
0x6: {  	_ = 	snop  }
0x7: {  	_ = 	snop  }
__scs_overlays_trampoline_lowered:
0x8: {  	[smem:$0x3FAA] =	sst s0  }
0x9: {  	[smem:$0x3FAB] =	sst s1  }
0xa: {  	[smem:$0x3FAC] =	sst s2  }
0xb: {  	[smem:$0x3FAD] =	sst s3  }
0xc: {  	[smem:$0x3FAE] =	sst s4  }
0xd: {  	[smem:$0x3FAF] =	sst s5  }
0xe: {  	[smem:$0x3FB0] =	sst s6  }
0xf: {  	[smem:$0x3FB1] =	sst s7  }
0x10: {  	[smem:$0x3FB2] =	sst s8  }
0x11: {  	[smem:$0x3FB3] =	sst s9;
	s0 =	simm.s32 @!p0 $0x0  }
0x12: {  	s1 =	sld [smem:$0x3F99];
	s0 =	simm.s32 @p0 $0x1  }
0x13: {  	[smem:$0x3FB4] =	sst s0;
	s0 =	simm.s32 @!p1 $0x0  }
0x14: {  	s2 =	sld [smem:$0x3F98];
	s0 =	simm.s32 @p1 $0x1  }
0x15: {  	[smem:$0x3FB5] =	sst s0;
	s0 =	simm.s32 @!p2 $0x0  }
0x16: {  	s3 =	sld [smem:$0x3FDB];
	s0 =	simm.s32 @p2 $0x1  }
0x17: {  	s4 =	simm.s32 $0x1BF5;
	[smem:$0x3FB7] =	sst s0  }
0x18: {  	s0 =	sld [smem:$0x3F9A];
	_ =	swait.ge [sflag:s4], $0x0  }
0x19: {  	s7 =	sld [smem:$0x3F9B]  }
0x1a: {  	s8 =	sadd.s32 $0xFFFFE003, lr  }
0x1b: {  	s9 =	sadd.s32 $0xFFFFFEF7, lr;
	s5 =	simm.s32 $0xFFFFFFFF;
	p2 =	slt.u32 s8, $0xFFFFF086  }
0x1c: {  	p1 =	slt.u32 s9, $0xF7A;
	s5 =	simm.s32 @!p2 $0x0  }
0x1d: {  	s5 =	simm.s32 @p1 $0x1;
	p0 =	seq.s32 s7, s2  }
0x1e: {  	s7 =	smul.u32 @!p0 $0xF7A, s2;
	p2 =	seq.s32 @!p0 s5, $0x0  }
0x1f: {  	s9 =	smul.u32 $0xF7A, s1;
	s8 =	simm.s32 @!p0 $0x1BF5;
	p2 =	por !p2, p0  }
0x20: {  	[sflag:s8] =	ssyncset.s32 @!p0 $0xFFFFF086;
	s6 =	sadd.s32 @!p0 s3, s7;
	s7 =	simm.s32 @!p0 $0x108  }
0x21: {  	s3 =	sadd.s32 s3, s9;
	s6 =	sadd.s32 @!p0 $0x88, s6;
	s7 =	simm.s32 @p2 $0x1082  }
0x22: {  	[simem:s7], [sflag:s8] =	dma.local @!p0 [hbm:s6], $0xF7A  }
0x23: {  	s9 =	sor.u32 $0xD0000000, s2;
	s6 =	simm.s32 $0x108;
	_ =	swait.ge @!p0 [sflag:s8], $0x0  }
0x24: {  	s3 =	sadd.s32 $0x88, s3;
	s6 =	simm.s32 @!p1 $0x1082;
	[sflag:s4] =	ssyncset.s32 $0xFFFFF086  }
0x25: {  	[simem:s6], [sflag:s4] =	dma.local [hbm:s3], $0xF7A  }
0x26: {  	[smem:$0x3F9B] =	sst s1;
	(tag) =	ssettag s2;
	_ =	strace s9  }
0x27: {  	s1 =	sld [smem:$0x3FAB]  }
0x28: {  	s2 =	sld [smem:$0x3FAC]  }
0x29: {  	s4 =	sld [smem:$0x3FAE]  }
0x2a: {  	p0 =	seq.s32 s5, $0x0;
	s5 =	sld [smem:$0x3FAF]  }
0x2b: {  	s6 =	sld [smem:$0x3FB0]  }
0x2c: {  	s7 =	sld [smem:$0x3FB1]  }
0x2d: {  	s3 =	simm.s32 $0x108;
	s8 =	sld [smem:$0x3FB2]  }
0x2e: {  	s3 =	simm.s32 @!p0 $0x1082;
	s9 =	sld [smem:$0x3FB3]  }
0x2f: {  	lr =	sadd.s32 s0, s3;
	s0 =	sld [smem:$0x3FAA]  }
0x30: {  	s3 =	sld [smem:$0x3FAD]  }
0x31: {  	[smem:$0x3FB6] =	sst s10  }
0x32: {  	s10 =	sld [smem:$0x3FB4];
	_ =	sdelay $0x3  }
0x33: {  	p0 =	seq.s32 s10, $0x1;
	s10 =	sld [smem:$0x3FB6];
	_ =	sdelay $0x3  }
0x34: {  	[smem:$0x3FB6] =	sst s10  }
0x35: {  	s10 =	sld [smem:$0x3FB5];
	_ =	sdelay $0x3  }
0x36: {  	p1 =	seq.s32 s10, $0x1;
	s10 =	sld [smem:$0x3FB6];
	_ =	sdelay $0x3  }
0x37: {  	[smem:$0x3FB6] =	sst s10  }
0x38: {  	s10 =	sld [smem:$0x3FB7]  }
0x39: {  	_ = 	snop;
	(pc) =	sbr.ind lr, $3  }
0x3a: {  	_ = 	snop  }
0x3b: {  	_ = 	snop  }
0x3c: {  	p2 =	seq.s32 s10, $0x1;
	s10 =	sld [smem:$0x3FB6]  }
0x3d: {  	_ =	shalt  }
0x3e: {  	_ =	shalt  }
0x3f: {  	_ =	shalt  }
0x40: {  	_ =	shalt  }
0x41: {  	_ =	shalt  }
0x42: {  	_ =	shalt  }
0x43: {  	_ =	shalt  }
0x44: {  	_ =	shalt  }
0x45: {  	_ =	shalt  }
0x46: {  	_ =	shalt  }
0x47: {  	_ =	shalt  }
0x48: {  	_ =	shalt  }
0x49: {  	_ =	shalt  }
0x4a: {  	_ =	shalt  }
0x4b: {  	_ =	shalt  }
0x4c: {  	_ =	shalt  }
0x4d: {  	_ =	shalt  }
0x4e: {  	_ =	shalt  }
0x4f: {  	_ =	shalt  }
0x50: {  	_ =	shalt  }
0x51: {  	_ =	shalt  }
0x52: {  	_ =	shalt  }
0x53: {  	_ =	shalt  }
0x54: {  	_ =	shalt  }
0x55: {  	_ =	shalt  }
0x56: {  	_ =	shalt  }
0x57: {  	_ =	shalt  }
0x58: {  	_ =	shalt  }
0x59: {  	_ =	shalt  }
0x5a: {  	_ =	shalt  }
0x5b: {  	_ =	shalt  }
0x5c: {  	_ =	shalt  }
0x5d: {  	_ =	shalt  }
0x5e: {  	_ =	shalt  }
0x5f: {  	_ =	shalt  }
0x60: {  	_ =	shalt  }
0x61: {  	_ =	shalt  }
0x62: {  	_ =	shalt  }
0x63: {  	_ =	shalt  }
0x64: {  	_ =	shalt  }
0x65: {  	_ =	shalt  }
0x66: {  	_ =	shalt  }
0x67: {  	_ =	shalt  }
0x68: {  	_ =	shalt  }
0x69: {  	_ =	shalt  }
0x6a: {  	_ =	shalt  }
0x6b: {  	_ =	shalt  }
0x6c: {  	_ =	shalt  }
0x6d: {  	_ =	shalt  }
0x6e: {  	_ =	shalt  }
0x6f: {  	_ =	shalt  }
0x70: {  	_ =	shalt  }
0x71: {  	_ =	shalt  }
0x72: {  	_ =	shalt  }
0x73: {  	_ =	shalt  }
0x74: {  	_ =	shalt  }
0x75: {  	_ =	shalt  }
0x76: {  	_ =	shalt  }
0x77: {  	_ =	shalt  }
0x78: {  	_ =	shalt  }
0x79: {  	_ =	shalt  }
0x7a: {  	_ =	shalt  }
0x7b: {  	_ =	shalt  }
0x7c: {  	_ =	shalt  }
0x7d: {  	_ =	shalt  }
0x7e: {  	_ =	shalt  }
0x7f: {  	_ =	shalt  }
0x80: {  	_ =	shalt  }
0x81: {  	_ =	shalt  }
0x82: {  	_ =	shalt  }
0x83: {  	_ =	shalt  }
0x84: {  	_ =	shalt  }
0x85: {  	_ =	shalt  }
0x86: {  	_ =	shalt  }
0x87: {  	_ =	shalt  }
.Lfunc_end0:
.L_simem_size_0:
called_computation_lowered:
.L_overlay_start_0:
0x88: {  	s2 =	sld [smem:$0x3FD9]  }
0x89: {  	s3 =	sld [smem:$0x3FFE];
	_ =	sdelay $0x1  }
0x8a: {  	s1 =	srdreg.scid  }
0x8b: {  	s0 =	sand.u32 $0x1, s1  }
0x8c: {  	s17 =	sshll.u32 s0, $0xA;
	s2 =	sadd.s32 s3, s2  }
0x8d: {  	s2 =	sadd.s32 s2, s17  }
0x8e: {  	[smem:$0x3FC2] =	sst s2  }
0x8f: {  	_ = 	snop  }
0x90: {  	s2 =	sld [smem:$0x3FD0];
	(tm) =	ssettm $0x1  }
0x91: {  	s18 =	sld [smem:$0x3FFB];
	_ =	sdelay $0x3  }
0x92: {  	_ =	strace s18  }
0x93: {  	s3 =	sld [smem:$0x3FFC];
	_ =	sdelay $0x3  }
0x94: {  	_ =	strace s3  }
0x95: {  	s3 =	sld [smem:$0x3FFD];
	_ =	sdelay $0x3  }
0x96: {  	_ =	strace s3  }
0x97: {  	_ =	strace $0x8FFFFFFF  }
0x98: {  	s19 =	sld [smem:$0x3FDB];
	_ =	sdelay $0x1  }
0x99: {  	s4 =	simm.s32 $_scs_section_size  }
0x9a: {  	s5 =	simm.s32 $_size__tile_overlayer_lowered;
	s6 =	simm.s32 $_tile_overlayer_lowered  }
0x9b: {  	s22 =	simm.s32 $0x1BFF;
	s21 =	sshll.u32 s6, $0x1;
	s3 =	sadd.s32 s4, s19  }
0x9c: {  	s7 =	simm.s32 $0x0;
	s20 =	sshll.u32 s5, $0x1;
	s5 =	sadd.s32 s21, s3  }
0x9d: {  	[timem:s7], [sflag:s22] =	dma.local [hbm:s5], s20  }
0x9e: {  	_ =	swait.ge [sflag:s22], s20  }
0x9f: {  	s4 =	ssub.s32 $0x0, s20;
	[sflag:s22] =	ssyncset.done $0x0  }
0xa0: {  	[sflag:s22] =	ssyncadd.s32 s4;
	_ =	sdelay $0x1  }
0xa1: {  	s23 =	simm.s32 $0x1B8B  }
0xa2: {  	_ =	swait.ge [sflag:s23], $0x1  }
0xa3: {  	[sflag:s23] =	ssyncset.done $0x0  }
0xa4: {  	s25 =	simm.s32 $0x1B8E;
	s24 =	sld [smem:$0x3FFE];
	[sflag:s23] =	ssyncadd.s32 $0xFFFFFFFF  }
0xa5: {  	s26 =	simm.s32 $execute0_lowered;
	[smem:$0x3FD2] =	sst s25  }
0xa6: {  	s5 =	sshll.u32 s26, $0x1;
	_ =	strace $0x80000046;
	[dreg:$0x1] =	wrdreg $0xFFFFFFFF  }
0xa7: {  	s28 =	simm.s32 $_size_execute0_lowered;
	s3 =	sadd.s32 s3, s5;
	[dreg:$0x0] =	wrdreg $0x0  }
0xa8: {  	s5 =	sshll.u32 s28, $0x1;
	[dreg:$0x2] =	wrdreg s3  }
0xa9: {  	[dreg:$0x3] =	wrdreg s5  }
0xaa: {  	[dreg:$0x4] =	wrdreg $0xC0  }
0xab: {  	_ =	task [dreg:s7], $0x5FFFF  }
0xac: {  	[dreg:$0x1] =	wrdreg $0xFFFFFFFF  }
0xad: {  	[dreg:$0x0] =	wrdreg $0x60  }
0xae: {  	[dreg:$0x2] =	wrdreg s24  }
0xaf: {  	[dreg:$0x3] =	wrdreg s2  }
0xb0: {  	[dreg:$0x4] =	wrdreg $0xA4000  }
0xb1: {  	[dreg:$0x5] =	wrdreg $0x9  }
0xb2: {  	_ =	task.clear_ibuf [dreg:s7], $0x6FFFF;
	_ =	strace $0x90000046  }
0xb3: {  	s29 =	simm.s32 $0x9;
	_ =	strace $0x80000048  }
0xb4: {  	_ =	swait.ge [sflag:s29], $0x1  }
0xb5: {  	[sflag:s29] =	ssyncadd.s32 $0xFFFFFFFF  }
0xb6: {  	_ =	strace $0x90000048  }
0xb7: {  	_ =	sfence  }
0xb8: {  	s30 =	sld [smem:$0x0];
	_ =	sdelay $0x2  }
0xb9: {  	s31 =	sshll.u32 s1, $0xD;
	s1 =	sshrl.u32 s1, $0x2  }
0xba: {  	s3 =	sand.u32 $0x4000, s31;
	s1 =	sadd.s32 s1, s30  }
0xbb: {  	s0 =	sor.u32 s3, s0;
	s1 =	sshll.u32 s1, $0x11  }
0xbc: {  	s0 =	sor.u32 s1, s0  }
0xbd: {  	s0 =	sadd.s32 $0x8F2B, s0  }
0xbe: {  	[sflag:s0] =	ssyncadd.remote.s32 $0x1  }
0xbf: {  	_ =	sfence.sel $0xFFFF  }
0xc0: {  	[dreg:$0x0] =	wrdreg $0xFFFFFFFF;
	(pc) =	sbr.abs _section_cstart, $3  }
0xc1: {  	[dreg:$0x1] =	wrdreg $0xFFFFFFFF  }
0xc2: {  	_ =	task.clear_ibuf [dreg:s7], $0x2FFFF;
	_ =	strace $0x9FFFFFFF  }
0xc3: {  	(tm) =	ssettm $0x7FFFFFFF  }
tec
execute0_lowered:
.L_overlay_start_1:
0x0: {  	(tag) =	ssettag $0x1  }
0x1: {  	s0 =	rddreg [dreg:$0x0]  }
0x2: {  	s1 =	rddreg [dreg:$0x1]  }
0x3: {  	s2 =	rddreg [dreg:$0x2]  }
0x4: {  	s4 =	srdreg.scid;
	s12 =	stileid.u32;
	s3 =	simm.s32 $0x0  }
0x5: {  	s29 =	simm.s32 $0xC;
	s31 =	simm.s32 $0x380;
	s7 =	smul.u32 $0x2700, s12  }
0x6: {  	s6 =	sand.u32 $0x1, s4;
	[smem:$0x7FF] =	sst s3;
	s9 =	smul.u32 $0x4E000, s12  }
0x7: {  	s4 =	sadd.s32 $0xBE00, s0;
	s5 =	sadd.s32 $0x2000, s0;
	s21 =	smul.u32 $0x4E20, s12  }
0x8: {  	s10 =	sshll.u32 s12, $0x1;
	s17 =	sshll.u32 s12, $0x6;
	s8 =	smul.u32 $0x27100, s6  }
0x9: {  	_ =	strace $0x80000047;
	s16 =	ssub.s32 $0x2, s6;
	s10 =	sor.u32 s6, s10  }
0xa: {  	s24 =	sor.u32 $0x1C11, s17;
	s6 =	smul.u32 $0x2710, s6;
	s11 =	sshrl.u32 s16, $0x1  }
0xb: {  	s9 =	sshrl.u32 s9, $0x2;
	s10 =	smul.u32 $0x2710, s10;
	[dreg:$0x6] =	wrdreg s24  }
0xc: {  	s8 =	sadd.s32 s7, s8;
	s9 =	sadd.s32 s9, s2;
	s7 =	sadd.s32 s4, s7  }
0xd: {  	s6 =	sadd.s32 s6, s21;
	s0 =	sadd.s32 s8, s0;
	[dreg:$0x4] =	wrdreg s9  }
0xe: {  	s8 =	ssub.s32 s16, s11;
	[dreg:$0x5] =	wrdreg s7;
	s18 =	sshrl.u32 s10, $0x3  }
0xf: {  	s13 =	sshrl.u32 s6, $0x3;
	s14 =	sadd.s32 $0xF0, s6;
	s15 =	sadd.s32 $0xA0, s6  }
0x10: {  	s16 =	sadd.s32 $0x50, s6;
	s19 =	sadd.s32 s5, s18;
	s20 =	sadd.s32 s1, s18  }
0x11: {  	s10 =	sadd.s32 $0xA, s18;
	s22 =	sadd.s32 $0x14, s18;
	s30 =	sadd.s32 $0x1E, s18  }
0x12: {  	s7 =	sadd.s32 $0x4D8, s18;
	s17 =	sadd.s32 s13, s1;
	s9 =	sshrl.u32 s14, $0x3  }
0x13: {  	s0 =	sadd.s32 $0x33000, s0;
	s13 =	simm.s32 $0x4;
	[dreg:$0x7] =	wrdreg s19  }
0x14: {  	s14 =	simm.s32 $0x7C00;
	[dreg:$0x8] =	wrdreg s20;
	s23 =	sadd.s32 s5, s10  }
0x15: {  	s10 =	sadd.s32 s1, s10;
	s25 =	sadd.s32 s5, s22;
	[dreg:$0x11] =	wrdreg s0  }
0x16: {  	s26 =	sadd.s32 s1, s22;
	s11 =	sadd.s32 s5, s30;
	[dreg:$0x9] =	wrdreg s23  }
0x17: {  	s12 =	sadd.s32 s1, s30;
	s18 =	sadd.s32 s9, s1;
	[dreg:$0xa] =	wrdreg s10  }
0x18: {  	s19 =	sshrl.u32 s15, $0x3;
	s20 =	sshrl.u32 s16, $0x3;
	[dreg:$0xb] =	wrdreg s25  }
0x19: {  	s21 =	sadd.s32 s5, s7;
	s22 =	smax.u32 s8, $0x1;
	[dreg:$0xc] =	wrdreg s26  }
0x1a: {  	s30 =	sadd.s32 $0x140, s6;
	s9 =	simm.s32 $0x200;
	[dreg:$0xd] =	wrdreg s11  }
0x1b: {  	s15 =	simm.s32 $0x9;
	s16 =	simm.s32 $0x5;
	[dreg:$0xe] =	wrdreg s12  }
0x1c: {  	s8 =	simm.s32 $0x8;
	s19 =	sadd.s32 s19, s1;
	[dreg:$0x10] =	wrdreg s21  }
0x1d: {  	s20 =	sadd.s32 s20, s1;
	s1 =	sadd.s32 s1, s7;
	[dreg:$0x12] =	wrdreg s22  }
0x1e: {  	s23 =	sadd.s32 $0x230, s6;
	s25 =	sadd.s32 $0x1E0, s6;
	s26 =	sadd.s32 $0x190, s6  }
0x1f: {  	[dreg:$0x13] =	wrdreg s30;
	s6 =	simm.s32 $0x380;
	s10 =	simm.s32 $0x2  }
.Ltmp0:
0x20: {  	s11 =	simm.s32 $0x50;
	s21 =	simm.s32 $0x400;
	(pc) =	sbr.rel .LBB2_1-.Ltmp0, $4  }
0x21: {  	s22 =	simm.s32 $0xB;
	s12 =	simm.s32 $0x0;
	[dreg:$0xf] =	wrdreg s1  }
0x22: {  	s0 =	sshrl.u32 s23, $0x3;
	s1 =	sshrl.u32 s25, $0x3;
	s7 =	sshrl.u32 s26, $0x3  }
0x23: {  	s23 =	simm.s32 $0x7;
	s25 =	sadd.s32 s0, s5;
	s26 =	sadd.s32 s1, s5  }
0x24: {  	s28 =	sadd.s32 s7, s5;
	s1 =	simm.s32 $0x11;
	s7 =	simm.s32 $0x180  }
.LBB2_4:
0x25: {  	_ =	swait.ge [sflag:s29], $0x2800  }
0x26: {  	[sflag:s29] =	ssyncset.done $0x0  }
0x27: {  	[sflag:s29] =	ssyncadd.s32 $0xFFFFD800  }
0x28: {  	_ =	swait.ge [sflag:s8], $0x50  }
0x29: {  	[sflag:s8] =	ssyncset.done $0x0  }
0x2a: {  	s6 =	simm.s32 $0x380;
	s0 =	simm.s32 $0xD;
	[sflag:s8] =	ssyncadd.s32 $0xFFFFFFB0  }
0x2b: {  	[spmem:s2] =	stream.indirect.scatter.add.f32 [tilespmem:s14], [sflag:$0x10], $0x80, s6, s11, $0xb8;
	[tilespmem:$0x1DC80] =	vst v63  }
0x2c: {  	_ =	swait.ge [sflag:s0], $0x2800  }
0x2d: {  	[sflag:s0] =	ssyncset.done $0x0  }
0x2e: {  	s30 =	simm.s32 $0xE;
	[sflag:s0] =	ssyncadd.s32 $0xFFFFD800  }
0x2f: {  	_ =	swait.ge [sflag:s30], $0x2800  }
0x30: {  	[sflag:s30] =	ssyncset.done $0x0  }
0x31: {  	s1 =	simm.s32 $0xF;
	[sflag:s30] =	ssyncadd.s32 $0xFFFFD800  }
0x32: {  	_ =	swait.ge [sflag:s1], $0x2800  }
0x33: {  	[sflag:s1] =	ssyncset.done $0x0  }
0x34: {  	s9 =	simm.s32 $0x10;
	[sflag:s1] =	ssyncadd.s32 $0xFFFFD800  }
0x35: {  	_ =	swait.ge [sflag:s9], $0x2800  }
0x36: {  	[sflag:s9] =	ssyncset.done $0x0  }
0x37: {  	s1 =	simm.s32 $0x11;
	s12 =	rddreg [dreg:$0x10];
	[sflag:s9] =	ssyncadd.s32 $0xFFFFD800  }
0x38: {  	[tilespmem:s3], [sflag:$0x11] =	stream.linear.gather [hbm4b:s12+s3], $0x50, $0x38;
	[tilespmem:$0x1DC80] =	vst v63  }
0x39: {  	_ =	swait.ge [sflag:s1], $0x50  }
0x3a: {  	[sflag:s1] =	ssyncset.done $0x0  }
0x3b: {  	s9 =	simm.s32 $0x200;
	s21 =	rddreg [dreg:$0xf];
	[sflag:s1] =	ssyncadd.s32 $0xFFFFFFB0  }
0x3c: {  	[tilespmem:s9], [sflag:$0x11] =	stream.linear.gather [hbm4b:s21+s3], $0x50, $0x38;
	[tilespmem:$0x1DC80] =	vst v63  }
0x3d: {  	_ =	swait.ge [sflag:s1], $0x50  }
0x3e: {  	[sflag:s1] =	ssyncset.done $0x0  }
0x3f: {  	s24 =	simm.s32 $0x400;
	[sflag:s1] =	ssyncadd.s32 $0xFFFFFFB0  }
0x40: {  	[tilespmem:s24], [sflag:$0x9] =	stream.indirect.gather [hbm4b:s4+s11], $0x80, s3, s11, $0xb8;
	[tilespmem:$0x1DC80] =	vst v63  }
0x41: {  	_ =	swait.ge [sflag:s15], $0x2800  }
0x42: {  	[sflag:s15] =	ssyncset.done $0x0  }
0x43: {  	[sflag:s15] =	ssyncadd.s32 $0xFFFFD800  }
0x44: {  	[spmem:s2] =	stream.indirect.scatter.add.f32 [tilespmem:s24], [sflag:$0x11], $0x80, s9, s11, $0xb8;
	[tilespmem:$0x1DC80] =	vst v63  }
0x45: {  	_ =	swait.ge [sflag:s1], $0x2800  }
0x46: {  	[sflag:s1] =	ssyncset.done $0x0  }
0x47: {  	[sflag:s1] =	ssyncadd.s32 $0xFFFFD800  }
0x48: {  	[bflag:$0x0] =	sbarrier.arrive $0xFFFF  }
0x49: {  	s24 =	rddreg [dreg:$0x6]  }
0x4a: {  	s30 =	rddreg [dreg:$0x11]  }
0x4b: {  	s12 =	rddreg [dreg:$0x15]  }
0x4c: {  	[hbm:s30], [sflag:s24] =	dma.local [spmem:s12], $0x2800  }
0x4d: {  	_ =	swait.ge [sflag:s1], $0x2800  }
0x4e: {  	s0 =	rddreg [dreg:$0x14]  }
0x4f: {  	s30 =	rddreg [dreg:$0x12];
	s12 =	sadd.s32 $0x1, s0  }
0x50: {  	p0 =	sne.s32 s12, s30  }
.Ltmp1:
0x51: {  	_ = 	snop;
	(pc) =	sbr.rel @!p0 .LBB2_5-.Ltmp1, $3  }
0x52: {  	_ =	sdelay $0x1  }
0x53: {  	[sflag:s1] =	ssyncset.done $0x0  }
0x54: {  	s21 =	simm.s32 $0x400;
	[sflag:s1] =	ssyncadd.s32 $0xFFFFD800  }
.LBB2_1:
0x55: {  	[dreg:$0x14] =	wrdreg s12  }
0x56: {  	s0 =	rddreg [dreg:$0x4]  }
0x57: {  	s12 =	sshrl.u32 s0, $0x3;
	s0 =	rddreg [dreg:$0x5]  }
0x58: {  	[dreg:$0x15] =	wrdreg s12  }
0x59: {  	[spmem:s12], [sflag:s24] =	dma.local [hbm:s0], $0x2800  }
0x5a: {  	_ =	swait.ge [sflag:s1], $0x2800  }
0x5b: {  	[sflag:s1] =	ssyncset.done $0x0  }
0x5c: {  	s24 =	rddreg [dreg:$0x7];
	[sflag:s1] =	ssyncadd.s32 $0xFFFFD800  }
0x5d: {  	[tilespmem:s3], [sflag:$0x1] =	stream.linear.gather [hbm4b:s24+s3], $0x50, $0x38;
	[tilespmem:$0x1DC80] =	vst v63  }
0x5e: {  	s1 =	rddreg [dreg:$0x8]  }
0x5f: {  	[tilespmem:s9], [sflag:$0x5] =	stream.linear.gather [hbm4b:s1+s3], $0x50, $0x38;
	[tilespmem:$0x1DC80] =	vst v63  }
0x60: {  	s12 =	rddreg [dreg:$0x9];
	s24 =	simm.s32 $0x80  }
0x61: {  	[tilespmem:s24], [sflag:$0x2] =	stream.linear.gather [hbm4b:s12+s3], $0x50, $0x38;
	[tilespmem:$0x1DC80] =	vst v63  }
0x62: {  	s1 =	rddreg [dreg:$0xa];
	s9 =	simm.s32 $0x280  }
0x63: {  	[tilespmem:s9], [sflag:$0x6] =	stream.linear.gather [hbm4b:s1+s3], $0x50, $0x38;
	[tilespmem:$0x1DC80] =	vst v63  }
0x64: {  	s12 =	rddreg [dreg:$0xb];
	s24 =	simm.s32 $0x100  }
0x65: {  	[tilespmem:s24], [sflag:$0x3] =	stream.linear.gather [hbm4b:s12+s3], $0x50, $0x38;
	[tilespmem:$0x1DC80] =	vst v63  }
0x66: {  	s1 =	rddreg [dreg:$0xc];
	s9 =	simm.s32 $0x300  }
0x67: {  	[tilespmem:s9], [sflag:$0x7] =	stream.linear.gather [hbm4b:s1+s3], $0x50, $0x38;
	[tilespmem:$0x1DC80] =	vst v63  }
0x68: {  	s12 =	rddreg [dreg:$0xd]  }
0x69: {  	[tilespmem:s7], [sflag:$0x4] =	stream.linear.gather [hbm4b:s12+s3], $0x50, $0x38;
	[tilespmem:$0x1DC80] =	vst v63  }
0x6a: {  	s24 =	rddreg [dreg:$0xe]  }
0x6b: {  	[tilespmem:s6], [sflag:$0x8] =	stream.linear.gather [hbm4b:s24+s3], $0x50, $0x38;
	[tilespmem:$0x1DC80] =	vst v63  }
0x6c: {  	[bflag:$0x0] =	sbarrier.arrive $0xFFFF  }
0x6d: {  	s1 =	simm.s32 $0x0;
	s30 =	rddreg [dreg:$0x13]  }
.LBB2_2:
0x6e: {  	p0 =	seq.s32 s1, $0x0  }
0x6f: {  	s0 =	simm.s32 @p0 $0x1  }
0x70: {  	_ =	swait.ge @p0 [sflag:s0], $0x50  }
0x71: {  	s12 =	simm.s32 @p0 $0x0;
	[sflag:s0] =	ssyncset.done @p0 $0x0  }
0x72: {  	s6 =	simm.s32 @p0 $0x400;
	[sflag:s0] =	ssyncadd.s32 @p0 $0xFFFFFFB0;
	s0 =	simm.s32 @p0 $0x50  }
0x73: {  	[tilespmem:s6], [sflag:$0x9] =	stream.indirect.gather @p0 [hbm4b:s4+s0], $0x80, s12, s0, $0xb8;
	[tilespmem:$0x1DC80] =	vst v63  }
0x74: {  	s6 =	simm.s32 @!p0 $0xD  }
0x75: {  	_ =	swait.ge @!p0 [sflag:s6], $0x2800  }
0x76: {  	s9 =	simm.s32 @!p0 $0x200;
	[sflag:s6] =	ssyncset.done @!p0 $0x0  }
0x77: {  	s12 =	simm.s32 @!p0 $0x0;
	[sflag:s6] =	ssyncadd.s32 @!p0 $0xFFFFD800;
	s6 =	sadd.s32 @!p0 s1, s17  }
0x78: {  	[tilespmem:s9], [sflag:$0x5] =	stream.linear.gather @!p0 [hbm4b:s6+s12], $0x50, $0x38;
	[tilespmem:$0x1DC80] =	vst v63  }
0x79: {  	s6 =	simm.s32 @!p0 $0x1  }
0x7a: {  	_ =	swait.ge @!p0 [sflag:s6], $0x50  }
0x7b: {  	[sflag:s6] =	ssyncset.done @!p0 $0x0  }
0x7c: {  	s9 =	simm.s32 @!p0 $0x400;
	[sflag:s6] =	ssyncadd.s32 @!p0 $0xFFFFFFB0;
	s6 =	simm.s32 @!p0 $0x50  }
0x7d: {  	[tilespmem:s9], [sflag:$0x9] =	stream.indirect.gather @!p0 [hbm4b:s4+s6], $0x80, s12, s6, $0xb8;
	[tilespmem:$0x1DC80] =	vst v63  }
0x7e: {  	s9 =	simm.s32 @!p0 $0xE  }
0x7f: {  	_ =	swait.ge @!p0 [sflag:s9], $0x2800  }
0x80: {  	[sflag:s9] =	ssyncset.done @!p0 $0x0  }
0x81: {  	s24 =	simm.s32 @!p0 $0x280;
	[sflag:s9] =	ssyncadd.s32 @!p0 $0xFFFFD800;
	s9 =	sadd.s32 @!p0 s1, s20  }
0x82: {  	[tilespmem:s24], [sflag:$0x6] =	stream.linear.gather @!p0 [hbm4b:s9+s12], $0x50, $0x38;
	[tilespmem:$0x1DC80] =	vst v63  }
0x83: {  	_ =	swait.ge [sflag:s10], $0x50  }
0x84: {  	[sflag:s10] =	ssyncset.done $0x0  }
0x85: {  	s9 =	simm.s32 $0x80;
	s24 =	simm.s32 $0x2C00;
	[sflag:s10] =	ssyncadd.s32 $0xFFFFFFB0  }
0x86: {  	[tilespmem:s24], [sflag:$0xA] =	stream.indirect.gather [hbm4b:s4+s11], $0x80, s9, s11, $0xb8;
	[tilespmem:$0x1DC80] =	vst v63  }
0x87: {  	s9 =	simm.s32 @p0 $0x3  }
0x88: {  	_ =	swait.ge @p0 [sflag:s9], $0x50  }
0x89: {  	[sflag:s9] =	ssyncset.done @p0 $0x0  }
0x8a: {  	s24 =	simm.s32 @p0 $0x5400;
	[sflag:s9] =	ssyncadd.s32 @p0 $0xFFFFFFB0;
	s9 =	simm.s32 @p0 $0x100  }
0x8b: {  	[tilespmem:s24], [sflag:$0xB] =	stream.indirect.gather @p0 [hbm4b:s4+s0], $0x80, s9, s0, $0xb8;
	[tilespmem:$0x1DC80] =	vst v63  }
0x8c: {  	s0 =	simm.s32 @!p0 $0xF  }
0x8d: {  	_ =	swait.ge @!p0 [sflag:s0], $0x2800  }
0x8e: {  	[sflag:s0] =	ssyncset.done @!p0 $0x0  }
0x8f: {  	s9 =	simm.s32 @!p0 $0x300;
	[sflag:s0] =	ssyncadd.s32 @!p0 $0xFFFFD800;
	s0 =	sadd.s32 @!p0 s1, s19  }
0x90: {  	[tilespmem:s9], [sflag:$0x7] =	stream.linear.gather @!p0 [hbm4b:s0+s12], $0x50, $0x38;
	[tilespmem:$0x1DC80] =	vst v63  }
0x91: {  	s0 =	simm.s32 @!p0 $0x3  }
0x92: {  	_ =	swait.ge @!p0 [sflag:s0], $0x50  }
0x93: {  	[sflag:s0] =	ssyncset.done @!p0 $0x0  }
0x94: {  	s9 =	simm.s32 @!p0 $0x5400;
	[sflag:s0] =	ssyncadd.s32 @!p0 $0xFFFFFFB0;
	s0 =	simm.s32 @!p0 $0x100  }
0x95: {  	[tilespmem:s9], [sflag:$0xB] =	stream.indirect.gather @!p0 [hbm4b:s4+s6], $0x80, s0, s6, $0xb8;
	[tilespmem:$0x1DC80] =	vst v63  }
0x96: {  	s0 =	simm.s32 @!p0 $0x10  }
0x97: {  	_ =	swait.ge @!p0 [sflag:s0], $0x2800  }
0x98: {  	[sflag:s0] =	ssyncset.done @!p0 $0x0  }
0x99: {  	s6 =	simm.s32 @!p0 $0x380;
	[sflag:s0] =	ssyncadd.s32 @!p0 $0xFFFFD800;
	s0 =	sadd.s32 @!p0 s1, s18  }
0x9a: {  	[tilespmem:s6], [sflag:$0x8] =	stream.linear.gather @!p0 [hbm4b:s0+s12], $0x50, $0x38;
	[tilespmem:$0x1DC80] =	vst v63  }
0x9b: {  	_ =	swait.ge [sflag:s13], $0x50  }
0x9c: {  	[sflag:s13] =	ssyncset.done $0x0  }
0x9d: {  	[sflag:s13] =	ssyncadd.s32 $0xFFFFFFB0  }
0x9e: {  	[tilespmem:s14], [sflag:$0xC] =	stream.indirect.gather [hbm4b:s4+s11], $0x80, s7, s11, $0xb8;
	[tilespmem:$0x1DC80] =	vst v63  }
0x9f: {  	_ =	swait.ge [sflag:s15], $0x2800  }
0xa0: {  	[sflag:s15] =	ssyncset.done $0x0  }
0xa1: {  	[sflag:s15] =	ssyncadd.s32 $0xFFFFD800  }
0xa2: {  	_ =	swait.ge [sflag:s16], $0x50  }
0xa3: {  	p0 =	seq.s32 s1, $0x4B0;
	[sflag:s16] =	ssyncset.done $0x0  }
0xa4: {  	s9 =	simm.s32 $0x200;
	s0 =	simm.s32 @p0 $0xA;
	[sflag:s16] =	ssyncadd.s32 $0xFFFFFFB0  }
0xa5: {  	[spmem:s2] =	stream.indirect.scatter.add.f32 [tilespmem:s21], [sflag:$0xD], $0x80, s9, s11, $0xb8;
	[tilespmem:$0x1DC80] =	vst v63  }
0xa6: {  	_ =	swait.ge @p0 [sflag:s0], $0x2800  }
0xa7: {  	[sflag:s0] =	ssyncset.done @p0 $0x0  }
0xa8: {  	[sflag:s0] =	ssyncadd.s32 @p0 $0xFFFFD800;
	s0 =	simm.s32 @p0 $0x6  }
0xa9: {  	_ =	swait.ge @p0 [sflag:s0], $0x50  }
0xaa: {  	s6 =	simm.s32 @p0 $0x280;
	[sflag:s0] =	ssyncset.done @p0 $0x0  }
0xab: {  	s9 =	simm.s32 @p0 $0x2C00;
	[sflag:s0] =	ssyncadd.s32 @p0 $0xFFFFFFB0;
	s0 =	simm.s32 @p0 $0x50  }
0xac: {  	[spmem:s2] =	stream.indirect.scatter.add.f32 @p0 [tilespmem:s9], [sflag:$0xE], $0x80, s6, s0, $0xb8;
	[tilespmem:$0x1DC80] =	vst v63  }
0xad: {  	s0 =	sshrl.u32 @!p0 s30, $0x3  }
0xae: {  	s6 =	simm.s32 @!p0 $0x0;
	s0 =	sadd.s32 @!p0 s5, s0  }
0xaf: {  	[tilespmem:s6], [sflag:$0x1] =	stream.linear.gather @!p0 [hbm4b:s0+s6], $0x50, $0x38;
	[tilespmem:$0x1DC80] =	vst v63  }
0xb0: {  	s0 =	simm.s32 @!p0 $0xA  }
0xb1: {  	_ =	swait.ge @!p0 [sflag:s0], $0x2800  }
0xb2: {  	[sflag:s0] =	ssyncset.done @!p0 $0x0  }
0xb3: {  	[sflag:s0] =	ssyncadd.s32 @!p0 $0xFFFFD800;
	s0 =	simm.s32 @!p0 $0x6  }
0xb4: {  	_ =	swait.ge @!p0 [sflag:s0], $0x50  }
0xb5: {  	s12 =	simm.s32 @!p0 $0x2C00;
	[sflag:s0] =	ssyncset.done @!p0 $0x0  }
0xb6: {  	s9 =	simm.s32 @!p0 $0x280;
	[sflag:s0] =	ssyncadd.s32 @!p0 $0xFFFFFFB0;
	s0 =	simm.s32 @!p0 $0x50  }
0xb7: {  	[spmem:s2] =	stream.indirect.scatter.add.f32 @!p0 [tilespmem:s12], [sflag:$0xE], $0x80, s9, s0, $0xb8;
	[tilespmem:$0x1DC80] =	vst v63  }
0xb8: {  	s0 =	sadd.s32 @!p0 s1, s28;
	s9 =	simm.s32 @!p0 $0x80  }
0xb9: {  	[tilespmem:s9], [sflag:$0x2] =	stream.linear.gather @!p0 [hbm4b:s0+s6], $0x50, $0x38;
	[tilespmem:$0x1DC80] =	vst v63  }
0xba: {  	_ =	swait.ge [sflag:s22], $0x2800  }
0xbb: {  	[sflag:s22] =	ssyncset.done $0x0  }
.Ltmp2:
0xbc: {  	[sflag:s22] =	ssyncadd.s32 $0xFFFFD800;
	(pc) =	sbr.rel @p0 .LBB2_4-.Ltmp2, $4  }
0xbd: {  	_ =	swait.ge [sflag:s23], $0x50  }
0xbe: {  	[sflag:s23] =	ssyncset.done $0x0  }
0xbf: {  	s24 =	simm.s32 $0x5400;
	s12 =	simm.s32 $0x300;
	[sflag:s23] =	ssyncadd.s32 $0xFFFFFFB0  }
0xc0: {  	[spmem:s2] =	stream.indirect.scatter.add.f32 [tilespmem:s24], [sflag:$0xF], $0x80, s12, s11, $0xb8;
	[tilespmem:$0x1DC80] =	vst v63  }
0xc1: {  	s0 =	sadd.s32 s1, s26;
	s6 =	simm.s32 $0x100  }
0xc2: {  	[tilespmem:s6], [sflag:$0x3] =	stream.linear.gather [hbm4b:s0+s3], $0x50, $0x38;
	[tilespmem:$0x1DC80] =	vst v63  }
0xc3: {  	_ =	swait.ge [sflag:s29], $0x2800  }
0xc4: {  	[sflag:s29] =	ssyncset.done $0x0  }
0xc5: {  	[sflag:s29] =	ssyncadd.s32 $0xFFFFD800  }
0xc6: {  	_ =	swait.ge [sflag:s8], $0x50  }
.Ltmp3:
0xc7: {  	[sflag:s8] =	ssyncset.done $0x0;
	(pc) =	sbr.rel .LBB2_2-.Ltmp3, $4  }
0xc8: {  	[sflag:s8] =	ssyncadd.s32 $0xFFFFFFB0  }
0xc9: {  	[spmem:s2] =	stream.indirect.scatter.add.f32 [tilespmem:s14], [sflag:$0x10], $0x80, s31, s11, $0xb8;
	[tilespmem:$0x1DC80] =	vst v63  }
0xca: {  	s24 =	sadd.s32 s1, s25;
	s1 =	sadd.s32 $0x28, s1;
	s30 =	sadd.s32 $0x140, s30  }
0xcb: {  	[tilespmem:s7], [sflag:$0x4] =	stream.linear.gather [hbm4b:s24+s3], $0x50, $0x38;
	[tilespmem:$0x1DC80] =	vst v63  }
.LBB2_5:
0xcc: {  	_ =	sfence.sel $0x180000  }
0xcd: {  	[bflag:$0x0] =	sbarrier.arrive $0xFFFF  }
0xce: {  	_ =	strace $0x90000047  }
0xcf: {  	s0 =	stileid.u32;
	[bflag:$0x2] =	sbarrier.arrive $0xFFFF  }
0xd0: {  	p0 =	sne.s32 s0, $0x0;
	s0 =	rddreg [dreg:$0x3]  }
0xd1: {  	s0 =	sadd.s32 @!p0 $0x100000, s0  }
0xd2: {  	[sflag:s0] =	ssyncadd.tile.s32 @!p0 $0x1;
	_ =	shalt  }
.Lfunc_end2:
_tile_overlayer_lowered:
.L_overlay_start_2:
0xd3: {  	(tag) =	ssettag $0x2  }
0xd4: {  	s0 =	rddreg [dreg:$0x0];
	s2 =	stileid.u32  }
0xd5: {  	s1 =	rddreg [dreg:$0x1];
	p0 =	sne.s32 s2, $0x0  }
0xd6: {  	s3 =	rddreg [dreg:$0x2];
	[bflag:$0x3] =	sbarrier.arrive $0xFFFF;
	s2 =	simm.s32 @!p0 $0x1C11  }
0xd7: {  	[timem:s3], [sflag:s2] =	dma.local @!p0 [hbm:s0], s1  }
0xd8: {  	s0 =	simm.s32 @!p0 $0x11  }
0xd9: {  	_ =	swait.ge @!p0 [sflag:s0], s1  }
0xda: {  	s1 =	ssub.s32 @!p0 $0x0, s1;
	[sflag:s0] =	ssyncset.done @!p0 $0x0  }
0xdb: {  	[sflag:s0] =	ssyncadd.s32 @!p0 s1  }
0xdc: {  	[bflag:$0x3] =	sbarrier.arrive $0xFFFF  }
0xdd: {  	_ =	shalt  }

</sc_bundles>
